<compile_context>
chip_gen: v7x
topology: tpu7x:2x2x1
jax: 0.10.2.dev20260603
libtpu: 0.0.44.dev20260713+nightly
codegen_flags: <defaults>
</compile_context>

<pallas_src>
import functools

import jax
import jax.numpy as jnp
from jax import lax
from jax.experimental import pallas as pl
from jax.experimental.pallas import tpu as pltpu
from jax.experimental.pallas import tpu_sc as plsc

N = 10000
E = 320000
C = 128
NT = 32
EPT = E // NT
_PREC = lax.Precision.HIGHEST


def _prep_body(x_ref, attr_ref, wgi, wgj, wge, wfx, wfa, wc, bg, bf, bc,
               p_out, base_out, beta_out, q_out):
    wc_v = wc[...]
    v2 = jnp.dot(wfa[...], wc_v, precision=_PREC)
    u2 = jnp.dot(wfx[...], wc_v, precision=_PREC)
    a2 = jnp.dot(wgi[...], v2, precision=_PREC)
    w2 = jnp.dot(wgj[...], v2, precision=_PREC)
    t2 = jnp.dot(wge[...], v2, precision=_PREC)
    g0 = jnp.dot(bg[...], v2, precision=_PREC)
    c0 = jnp.dot(bf[...], wc_v, precision=_PREC) + bc[...]
    x = x_ref[...]
    p_out[...] = jnp.dot(x, w2, precision=_PREC)
    base_out[...] = jnp.dot(x, u2, precision=_PREC) + c0
    beta_out[...] = jnp.dot(x, a2, precision=_PREC) + g0
    r = lax.broadcasted_iota(jnp.int32, (C, 32), 0)
    cidx = lax.broadcasted_iota(jnp.int32, (C, 32), 1)
    blk = ((r // 4) == cidx).astype(jnp.float32)
    r4 = lax.broadcasted_iota(jnp.int32, (C, 4), 0)
    j4 = lax.broadcasted_iota(jnp.int32, (C, 4), 1)
    sel = ((r4 % 4) == j4).astype(jnp.float32)
    tcol = jnp.dot(sel, t2, precision=_PREC)
    q_out[...] = jnp.dot(attr_ref[...], blk * tcol, precision=_PREC)


_prep_call = pl.pallas_call(
    _prep_body,
    out_shape=(
        jax.ShapeDtypeStruct((N, 1), jnp.float32),
        jax.ShapeDtypeStruct((N, 1), jnp.float32),
        jax.ShapeDtypeStruct((N, 1), jnp.float32),
        jax.ShapeDtypeStruct((E * 4 // C, 32), jnp.float32),
    ),
    compiler_params=pltpu.CompilerParams(vmem_limit_bytes=100 * 1024 * 1024),
)


N_PAD = 10240
ROWS = 80
EPT_PAD = ROWS * 128
E_PAD = NT * EPT_PAD
N_SLICE = N_PAD // 16


def _edge_body(p_hbm, src_hbm, dst_hbm, q_hbm, acc_out, cnt_out,
               p_v, src_v, dst_v, q_v, vals_v, z_v, ones_v, acc_sh, cnt_sh):
    cid = lax.axis_index("c")
    sid = lax.axis_index("s")
    wid = sid * 2 + cid
    row0 = wid * ROWS
    pltpu.sync_copy(p_hbm, p_v)
    pltpu.sync_copy(src_hbm.at[pl.ds(row0, ROWS)], src_v)
    pltpu.sync_copy(dst_hbm.at[pl.ds(row0, ROWS)], dst_v)
    pltpu.sync_copy(q_hbm.at[pl.ds(row0, ROWS)], q_v)

    zeros16 = jnp.zeros((16,), jnp.float32)
    ones16 = jnp.ones((16,), jnp.float32)

    def zbody(i, carry):
        z_v[pl.ds(i * 16, 16)] = zeros16
        return carry

    lax.fori_loop(0, N_SLICE // 16, zbody, 0)
    for j in range(8):
        ones_v[pl.ds(j * 16, 16)] = ones16
    sl = pl.ds(sid * N_SLICE, N_SLICE)
    pltpu.sync_copy(z_v, acc_sh.at[sl])
    pltpu.sync_copy(z_v, cnt_sh.at[sl])
    plsc.subcore_barrier()

    def vbody(c, carry):
        for j in range(8):
            ls = pl.ds(j * 16, 16)
            s16 = src_v[c, ls]
            q16 = q_v[c, ls]
            pv = plsc.load_gather(p_v, [s16])
            vals_v[c, ls] = pv + q16
        return carry

    lax.fori_loop(0, ROWS, vbody, 0)

    def sbody(c, carry):
        idx = dst_v.at[c]
        pltpu.sync_copy(vals_v.at[c], acc_sh.at[idx], add=True)
        pltpu.sync_copy(ones_v, cnt_sh.at[idx], add=True)
        return carry

    lax.fori_loop(0, ROWS, sbody, 0)
    plsc.subcore_barrier()

    pltpu.sync_copy(acc_sh.at[sl], acc_out.at[cid, sl])
    pltpu.sync_copy(cnt_sh.at[sl], cnt_out.at[cid, sl])


def _make_edge_call():
    mesh = plsc.VectorSubcoreMesh(core_axis_name="c", subcore_axis_name="s")
    return pl.kernel(
        _edge_body,
        out_type=(
            jax.ShapeDtypeStruct((2, N_PAD), jnp.float32),
            jax.ShapeDtypeStruct((2, N_PAD), jnp.float32),
        ),
        mesh=mesh,
        compiler_params=pltpu.CompilerParams(needs_layout_passes=False),
        scratch_types=[
            pltpu.VMEM((N,), jnp.float32),
            pltpu.VMEM((ROWS, 128), jnp.int32),
            pltpu.VMEM((ROWS, 128), jnp.int32),
            pltpu.VMEM((ROWS, 128), jnp.float32),
            pltpu.VMEM((ROWS, 128), jnp.float32),
            pltpu.VMEM((N_SLICE,), jnp.float32),
            pltpu.VMEM((128,), jnp.float32),
            pltpu.VMEM_SHARED((N_PAD,), jnp.float32),
            pltpu.VMEM_SHARED((N_PAD,), jnp.float32),
        ],
    )


def _post_body(accp, cntp, base, beta, probs_out, y_out):
    acc = jnp.sum(accp[...], axis=0)
    cnt = jnp.sum(cntp[...], axis=0)
    m = (cnt > 0.0).astype(jnp.float32)
    logit = base[...] + m * beta[...] + acc / jnp.maximum(cnt, 1.0)
    probs = jax.nn.sigmoid(logit)
    probs_out[...] = probs
    y_out[...] = (probs > 0.5).astype(jnp.uint8)


_post_call = pl.pallas_call(
    _post_body,
    out_shape=(
        jax.ShapeDtypeStruct((N_PAD,), jnp.float32),
        jax.ShapeDtypeStruct((N_PAD,), jnp.uint8),
    ),
)


def kernel(x_a, edge_index_a2a, edge_attr_a2a, W_g, b_g, W_f, b_f, W_c, b_c):
    src = edge_index_a2a[0]
    dst = edge_index_a2a[1]
    attr_rs = edge_attr_a2a.reshape(E * 4 // C, C)
    p2, base2, beta2, q_rs = _prep_call(
        x_a, attr_rs,
        W_g[:C], W_g[C:2 * C], W_g[2 * C:],
        W_f[:C], W_f[C:],
        W_c, b_g.reshape(1, C), b_f.reshape(1, C), b_c.reshape(1, 1),
    )
    p = p2.reshape(N)
    pad = E_PAD - E
    src_p = jnp.concatenate([src, jnp.zeros((pad,), jnp.int32)]).reshape(NT * ROWS, 128)
    dst_p = jnp.concatenate(
        [dst, jnp.full((pad,), N_PAD - 1, jnp.int32)]).reshape(NT * ROWS, 128)
    q_p = jnp.concatenate(
        [q_rs.reshape(E), jnp.zeros((pad,), jnp.float32)]).reshape(NT * ROWS, 128)
    accp, cntp = _make_edge_call()(p, src_p, dst_p, q_p)
    npad = N_PAD - N
    base_p = jnp.concatenate([base2.reshape(N), jnp.zeros((npad,), jnp.float32)])
    beta_p = jnp.concatenate([beta2.reshape(N), jnp.zeros((npad,), jnp.float32)])
    probs, y8 = _post_call(accp, cntp, base_p, beta_p)
    return (y8[:N].astype(jnp.bool_).reshape(N, 1), probs[:N].reshape(N, 1))

# --- scband reference (transcript-rebuilt; emitter-appended) ---
"""Pipeline reference for scband-cuts-selector-16037407883356 (READ-ONLY COPY).

The authoritative reference and input builder live on the scoring server;
editing this copy changes nothing except your own understanding.
"""

import jax, jax.numpy as jnp
import numpy as np

N, E, C, DE = 10000, 320000, 128, 4

def setup_inputs(seed: int = 0) -> dict:
    key = jax.random.key(seed)
    ks = jax.random.split(key, 9)
    x_a = jax.random.normal(ks[0], (N, C), dtype=jnp.float32)
    edge_index_a2a = jax.random.randint(ks[1], (2, E), 0, N, dtype=jnp.int32)
    edge_attr_a2a = jax.random.uniform(ks[2], (E, DE), dtype=jnp.float32)
    # CutConv params: g = Linear(2C+DE, C), f = Linear(2C, C); classifier = Linear(C, 1)
    def lin_init(k, fan_in, fan_out):
        k1, k2 = jax.random.split(k)
        bound = 1.0 / np.sqrt(fan_in)
        W = jax.random.uniform(k1, (fan_in, fan_out), minval=-bound, maxval=bound, dtype=jnp.float32)
        b = jax.random.uniform(k2, (fan_out,), minval=-bound, maxval=bound, dtype=jnp.float32)
        return W, b
    W_g, b_g = lin_init(ks[3], 2 * C + DE, C)
    W_f, b_f = lin_init(ks[4], 2 * C, C)
    W_c, b_c = lin_init(ks[5], C, 1)
    return {"x_a": x_a, "edge_index_a2a": edge_index_a2a, "edge_attr_a2a": edge_attr_a2a,
            "W_g": W_g, "b_g": b_g, "W_f": W_f, "b_f": b_f, "W_c": W_c, "b_c": b_c}

def reference(x_a, edge_index_a2a, edge_attr_a2a, W_g, b_g, W_f, b_f, W_c, b_c):
    src = edge_index_a2a[0]
    dst = edge_index_a2a[1]
    # message: g([x_i, x_j, e_ij]) where i = target (dst), j = source (src)
    x_i = jnp.take(x_a, dst, axis=0)
    x_j = jnp.take(x_a, src, axis=0)
    z_ij = jnp.concatenate([x_i, x_j, edge_attr_a2a], axis=-1)
    msg = z_ij @ W_g + b_g
    # mean aggregation at target nodes
    summed = jax.ops.segment_sum(msg, dst, num_segments=N)
    counts = jax.ops.segment_sum(jnp.ones((msg.shape[0],), dtype=msg.dtype), dst, num_segments=N)
    aggr = summed / jnp.clip(counts, 1.0, None)[:, None]
    # update: f([x, aggr])
    h = jnp.concatenate([x_a, aggr], axis=-1) @ W_f + b_f
    # classifier + sigmoid
    probs = jax.nn.sigmoid(h @ W_c + b_c)
    y = probs > 0.5
    return (y, probs)

if __name__ == "__main__":
    import jax
    _d = setup_inputs()
    print(jax.jit(kernel)(*tuple(_d.values())))

</pallas_src>

<mosaic_0001>
#map = affine_map<(d0, d1) -> (0)>
#map1 = affine_map<(d0, d1) -> (0, 0)>
module attributes {stable_mosaic.version = 14 : i64} {
  func.func @_edge_body(%arg0: i32, %arg1: i32, %arg2: memref<10000xf32, #tpu.memory_space<hbm>>, %arg3: memref<2560x128xi32, #tpu.memory_space<hbm>>, %arg4: memref<2560x128xi32, #tpu.memory_space<hbm>>, %arg5: memref<2560x128xf32, #tpu.memory_space<hbm>>, %arg6: memref<2x10240xf32, #tpu.memory_space<hbm>>, %arg7: memref<2x10240xf32, #tpu.memory_space<hbm>>, %arg8: memref<10000xf32, #tpu.memory_space<vmem>>, %arg9: memref<80x128xi32, #tpu.memory_space<vmem>>, %arg10: memref<80x128xi32, #tpu.memory_space<vmem>>, %arg11: memref<80x128xf32, #tpu.memory_space<vmem>>, %arg12: memref<80x128xf32, #tpu.memory_space<vmem>>, %arg13: memref<640xf32, #tpu.memory_space<vmem>>, %arg14: memref<128xf32, #tpu.memory_space<vmem>>, %arg15: memref<10240xf32, #tpu.memory_space<vmem_shared>>, %arg16: memref<10240xf32, #tpu.memory_space<vmem_shared>>) attributes {dimension_semantics = [#tpu.dimension_semantics<core_parallel>, #tpu.dimension_semantics<subcore_parallel>], iteration_bounds = array<i64: 2, 16>, scalar_prefetch = 0 : i64, scratch_operands = 9 : i64, tpu.core_type = #tpu.core_type<sc_vector_subcore>, window_params = [{transform_indices = #map}, {transform_indices = #map1}, {transform_indices = #map1}, {transform_indices = #map1}, {transform_indices = #map1}, {transform_indices = #map1}]} {
    %mul3A = arith.constant 2 : i32
    %mul3A_0 = arith.muli %arg1, %mul3A : i32
    %add3A = arith.addi %mul3A_0, %arg0 : i32
    %mul3A_1 = arith.constant 80 : i32
    %mul3A_2 = arith.muli %add3A, %mul3A_1 : i32
    "tpu.region"() ({
      %run_scoped3A = tpu.sem_alloc : memref<!tpu.dma_semaphore, #tpu.memory_space<semaphore_mem>>
      tpu.enqueue_dma source(%arg2 : memref<10000xf32, #tpu.memory_space<hbm>>) target(%arg8 : memref<10000xf32, #tpu.memory_space<vmem>>) target_semaphore(%run_scoped3A : memref<!tpu.dma_semaphore, #tpu.memory_space<semaphore_mem>>)
      tpu.wait_dma2 semaphore(%run_scoped3A : memref<!tpu.dma_semaphore, #tpu.memory_space<semaphore_mem>>) src(%arg2 : memref<10000xf32, #tpu.memory_space<hbm>>) dst(%arg8 : memref<10000xf32, #tpu.memory_space<vmem>>)
      tpu.yield
    }) : () -> ()
    "tpu.region"() ({
      %run_scoped3A = tpu.sem_alloc : memref<!tpu.dma_semaphore, #tpu.memory_space<semaphore_mem>>
      %dma_start3A = arith.constant 0 : i32
      %dma_start3A_41 = tpu.memref_slice %arg3[%mul3A_2, %dma_start3A] : memref<2560x128xi32, #tpu.memory_space<hbm>> -> memref<80x128xi32, #tpu.memory_space<hbm>>
      %dma_start3A_42 = arith.constant 0 : i32
      %dma_start3A_43 = tpu.memref_slice %arg3[%mul3A_2, %dma_start3A_42] : memref<2560x128xi32, #tpu.memory_space<hbm>> -> memref<80x128xi32, #tpu.memory_space<hbm>>
      tpu.enqueue_dma source(%dma_start3A_43 : memref<80x128xi32, #tpu.memory_space<hbm>>) target(%arg9 : memref<80x128xi32, #tpu.memory_space<vmem>>) target_semaphore(%run_scoped3A : memref<!tpu.dma_semaphore, #tpu.memory_space<semaphore_mem>>)
      %dma_wait3A = arith.constant 0 : i32
      %dma_wait3A_44 = tpu.memref_slice %arg3[%mul3A_2, %dma_wait3A] : memref<2560x128xi32, #tpu.memory_space<hbm>> -> memref<80x128xi32, #tpu.memory_space<hbm>>
      %dma_wait3A_45 = arith.constant 0 : i32
      %dma_wait3A_46 = tpu.memref_slice %arg3[%mul3A_2, %dma_wait3A_45] : memref<2560x128xi32, #tpu.memory_space<hbm>> -> memref<80x128xi32, #tpu.memory_space<hbm>>
      tpu.wait_dma2 semaphore(%run_scoped3A : memref<!tpu.dma_semaphore, #tpu.memory_space<semaphore_mem>>) src(%dma_wait3A_46 : memref<80x128xi32, #tpu.memory_space<hbm>>) dst(%arg9 : memref<80x128xi32, #tpu.memory_space<vmem>>)
      tpu.yield
    }) : () -> ()
    "tpu.region"() ({
      %run_scoped3A = tpu.sem_alloc : memref<!tpu.dma_semaphore, #tpu.memory_space<semaphore_mem>>
      %dma_start3A = arith.constant 0 : i32
      %dma_start3A_41 = tpu.memref_slice %arg4[%mul3A_2, %dma_start3A] : memref<2560x128xi32, #tpu.memory_space<hbm>> -> memref<80x128xi32, #tpu.memory_space<hbm>>
      %dma_start3A_42 = arith.constant 0 : i32
      %dma_start3A_43 = tpu.memref_slice %arg4[%mul3A_2, %dma_start3A_42] : memref<2560x128xi32, #tpu.memory_space<hbm>> -> memref<80x128xi32, #tpu.memory_space<hbm>>
      tpu.enqueue_dma source(%dma_start3A_43 : memref<80x128xi32, #tpu.memory_space<hbm>>) target(%arg10 : memref<80x128xi32, #tpu.memory_space<vmem>>) target_semaphore(%run_scoped3A : memref<!tpu.dma_semaphore, #tpu.memory_space<semaphore_mem>>)
      %dma_wait3A = arith.constant 0 : i32
      %dma_wait3A_44 = tpu.memref_slice %arg4[%mul3A_2, %dma_wait3A] : memref<2560x128xi32, #tpu.memory_space<hbm>> -> memref<80x128xi32, #tpu.memory_space<hbm>>
      %dma_wait3A_45 = arith.constant 0 : i32
      %dma_wait3A_46 = tpu.memref_slice %arg4[%mul3A_2, %dma_wait3A_45] : memref<2560x128xi32, #tpu.memory_space<hbm>> -> memref<80x128xi32, #tpu.memory_space<hbm>>
      tpu.wait_dma2 semaphore(%run_scoped3A : memref<!tpu.dma_semaphore, #tpu.memory_space<semaphore_mem>>) src(%dma_wait3A_46 : memref<80x128xi32, #tpu.memory_space<hbm>>) dst(%arg10 : memref<80x128xi32, #tpu.memory_space<vmem>>)
      tpu.yield
    }) : () -> ()
    "tpu.region"() ({
      %run_scoped3A = tpu.sem_alloc : memref<!tpu.dma_semaphore, #tpu.memory_space<semaphore_mem>>
      %dma_start3A = arith.constant 0 : i32
      %dma_start3A_41 = tpu.memref_slice %arg5[%mul3A_2, %dma_start3A] : memref<2560x128xf32, #tpu.memory_space<hbm>> -> memref<80x128xf32, #tpu.memory_space<hbm>>
      %dma_start3A_42 = arith.constant 0 : i32
      %dma_start3A_43 = tpu.memref_slice %arg5[%mul3A_2, %dma_start3A_42] : memref<2560x128xf32, #tpu.memory_space<hbm>> -> memref<80x128xf32, #tpu.memory_space<hbm>>
      tpu.enqueue_dma source(%dma_start3A_43 : memref<80x128xf32, #tpu.memory_space<hbm>>) target(%arg11 : memref<80x128xf32, #tpu.memory_space<vmem>>) target_semaphore(%run_scoped3A : memref<!tpu.dma_semaphore, #tpu.memory_space<semaphore_mem>>)
      %dma_wait3A = arith.constant 0 : i32
      %dma_wait3A_44 = tpu.memref_slice %arg5[%mul3A_2, %dma_wait3A] : memref<2560x128xf32, #tpu.memory_space<hbm>> -> memref<80x128xf32, #tpu.memory_space<hbm>>
      %dma_wait3A_45 = arith.constant 0 : i32
      %dma_wait3A_46 = tpu.memref_slice %arg5[%mul3A_2, %dma_wait3A_45] : memref<2560x128xf32, #tpu.memory_space<hbm>> -> memref<80x128xf32, #tpu.memory_space<hbm>>
      tpu.wait_dma2 semaphore(%run_scoped3A : memref<!tpu.dma_semaphore, #tpu.memory_space<semaphore_mem>>) src(%dma_wait3A_46 : memref<80x128xf32, #tpu.memory_space<hbm>>) dst(%arg11 : memref<80x128xf32, #tpu.memory_space<vmem>>)
      tpu.yield
    }) : () -> ()
    %broadcast_in_dim3A = arith.constant 0.000000e+00 : f32
    %broadcast_in_dim3A_3 = vector.broadcast %broadcast_in_dim3A : f32 to vector<16xf32>
    %broadcast_in_dim3A_4 = arith.constant 1.000000e+00 : f32
    %broadcast_in_dim3A_5 = vector.broadcast %broadcast_in_dim3A_4 : f32 to vector<16xf32>
    %scan3A = arith.constant 0 : i32
    %scan3A_6 = arith.constant 0 : i32
    %scan3A_7 = arith.constant 40 : i32
    %scan3A_8 = arith.addi %scan3A_6, %scan3A_7 : i32
    %scan3A_9 = arith.constant 1 : i32
    scf.for %scan3A_41 = %scan3A_6 to %scan3A_8 step %scan3A_9  : i32 {
      %mul3A_42 = arith.constant 16 : i32
      %mul3A_43 = arith.muli %scan3A_41, %mul3A_42 : i32
      %swap3A_44 = arith.index_cast %mul3A_43 : i32 to index
      %swap3A_45 = tpu.vector_load %arg13[%swap3A_44] {strides = array<i32>} : memref<640xf32, #tpu.memory_space<vmem>>, vector<16xf32>,
      tpu.vector_store %arg13[%swap3A_44], %broadcast_in_dim3A_3 {strides = array<i32>} : memref<640xf32, #tpu.memory_space<vmem>>, vector<16xf32>,
    }
    %scan3A_10 = arith.constant 40 : i32
    %swap3A = arith.constant 0 : index
    %swap3A_11 = tpu.vector_load %arg14[%swap3A] {strides = array<i32>} : memref<128xf32, #tpu.memory_space<vmem>>, vector<16xf32>,
    tpu.vector_store %arg14[%swap3A], %broadcast_in_dim3A_5 {strides = array<i32>} : memref<128xf32, #tpu.memory_space<vmem>>, vector<16xf32>,
    %swap3A_12 = arith.constant 16 : index
    %swap3A_13 = tpu.vector_load %arg14[%swap3A_12] {strides = array<i32>} : memref<128xf32, #tpu.memory_space<vmem>>, vector<16xf32>,
    tpu.vector_store %arg14[%swap3A_12], %broadcast_in_dim3A_5 {strides = array<i32>} : memref<128xf32, #tpu.memory_space<vmem>>, vector<16xf32>,
    %swap3A_14 = arith.constant 32 : index
    %swap3A_15 = tpu.vector_load %arg14[%swap3A_14] {strides = array<i32>} : memref<128xf32, #tpu.memory_space<vmem>>, vector<16xf32>,
    tpu.vector_store %arg14[%swap3A_14], %broadcast_in_dim3A_5 {strides = array<i32>} : memref<128xf32, #tpu.memory_space<vmem>>, vector<16xf32>,
    %swap3A_16 = arith.constant 48 : index
    %swap3A_17 = tpu.vector_load %arg14[%swap3A_16] {strides = array<i32>} : memref<128xf32, #tpu.memory_space<vmem>>, vector<16xf32>,
    tpu.vector_store %arg14[%swap3A_16], %broadcast_in_dim3A_5 {strides = array<i32>} : memref<128xf32, #tpu.memory_space<vmem>>, vector<16xf32>,
    %swap3A_18 = arith.constant 64 : index
    %swap3A_19 = tpu.vector_load %arg14[%swap3A_18] {strides = array<i32>} : memref<128xf32, #tpu.memory_space<vmem>>, vector<16xf32>,
    tpu.vector_store %arg14[%swap3A_18], %broadcast_in_dim3A_5 {strides = array<i32>} : memref<128xf32, #tpu.memory_space<vmem>>, vector<16xf32>,
    %swap3A_20 = arith.constant 80 : index
    %swap3A_21 = tpu.vector_load %arg14[%swap3A_20] {strides = array<i32>} : memref<128xf32, #tpu.memory_space<vmem>>, vector<16xf32>,
    tpu.vector_store %arg14[%swap3A_20], %broadcast_in_dim3A_5 {strides = array<i32>} : memref<128xf32, #tpu.memory_space<vmem>>, vector<16xf32>,
    %swap3A_22 = arith.constant 96 : index
    %swap3A_23 = tpu.vector_load %arg14[%swap3A_22] {strides = array<i32>} : memref<128xf32, #tpu.memory_space<vmem>>, vector<16xf32>,
    tpu.vector_store %arg14[%swap3A_22], %broadcast_in_dim3A_5 {strides = array<i32>} : memref<128xf32, #tpu.memory_space<vmem>>, vector<16xf32>,
    %swap3A_24 = arith.constant 112 : index
    %swap3A_25 = tpu.vector_load %arg14[%swap3A_24] {strides = array<i32>} : memref<128xf32, #tpu.memory_space<vmem>>, vector<16xf32>,
    tpu.vector_store %arg14[%swap3A_24], %broadcast_in_dim3A_5 {strides = array<i32>} : memref<128xf32, #tpu.memory_space<vmem>>, vector<16xf32>,
    %mul3A_26 = arith.constant 640 : i32
    %mul3A_27 = arith.muli %arg1, %mul3A_26 : i32
    "tpu.region"() ({
      %run_scoped3A = tpu.sem_alloc : memref<!tpu.dma_semaphore, #tpu.memory_space<semaphore_mem>>
      %dma_start3A = tpu.memref_slice %arg15[%mul3A_27] : memref<10240xf32, #tpu.memory_space<vmem_shared>> -> memref<640xf32, #tpu.memory_space<vmem_shared>>
      %dma_start3A_41 = tpu.memref_slice %arg15[%mul3A_27] : memref<10240xf32, #tpu.memory_space<vmem_shared>> -> memref<640xf32, #tpu.memory_space<vmem_shared>>
      tpu.enqueue_dma source(%arg13 : memref<640xf32, #tpu.memory_space<vmem>>) target(%dma_start3A_41 : memref<640xf32, #tpu.memory_space<vmem_shared>>) target_semaphore(%run_scoped3A : memref<!tpu.dma_semaphore, #tpu.memory_space<semaphore_mem>>)
      %dma_wait3A = tpu.memref_slice %arg15[%mul3A_27] : memref<10240xf32, #tpu.memory_space<vmem_shared>> -> memref<640xf32, #tpu.memory_space<vmem_shared>>
      %dma_wait3A_42 = tpu.memref_slice %arg15[%mul3A_27] : memref<10240xf32, #tpu.memory_space<vmem_shared>> -> memref<640xf32, #tpu.memory_space<vmem_shared>>
      tpu.wait_dma2 semaphore(%run_scoped3A : memref<!tpu.dma_semaphore, #tpu.memory_space<semaphore_mem>>) src(%arg13 : memref<640xf32, #tpu.memory_space<vmem>>) dst(%dma_wait3A_42 : memref<640xf32, #tpu.memory_space<vmem_shared>>)
      tpu.yield
    }) : () -> ()
    "tpu.region"() ({
      %run_scoped3A = tpu.sem_alloc : memref<!tpu.dma_semaphore, #tpu.memory_space<semaphore_mem>>
      %dma_start3A = tpu.memref_slice %arg16[%mul3A_27] : memref<10240xf32, #tpu.memory_space<vmem_shared>> -> memref<640xf32, #tpu.memory_space<vmem_shared>>
      %dma_start3A_41 = tpu.memref_slice %arg16[%mul3A_27] : memref<10240xf32, #tpu.memory_space<vmem_shared>> -> memref<640xf32, #tpu.memory_space<vmem_shared>>
      tpu.enqueue_dma source(%arg13 : memref<640xf32, #tpu.memory_space<vmem>>) target(%dma_start3A_41 : memref<640xf32, #tpu.memory_space<vmem_shared>>) target_semaphore(%run_scoped3A : memref<!tpu.dma_semaphore, #tpu.memory_space<semaphore_mem>>)
      %dma_wait3A = tpu.memref_slice %arg16[%mul3A_27] : memref<10240xf32, #tpu.memory_space<vmem_shared>> -> memref<640xf32, #tpu.memory_space<vmem_shared>>
      %dma_wait3A_42 = tpu.memref_slice %arg16[%mul3A_27] : memref<10240xf32, #tpu.memory_space<vmem_shared>> -> memref<640xf32, #tpu.memory_space<vmem_shared>>
      tpu.wait_dma2 semaphore(%run_scoped3A : memref<!tpu.dma_semaphore, #tpu.memory_space<semaphore_mem>>) src(%arg13 : memref<640xf32, #tpu.memory_space<vmem>>) dst(%dma_wait3A_42 : memref<640xf32, #tpu.memory_space<vmem_shared>>)
      tpu.yield
    }) : () -> ()
    %barrier3A = arith.constant 0 : index
    tpu.barrier barrier_id(%barrier3A)
    %scan3A_28 = arith.constant 0 : i32
    %scan3A_29 = arith.constant 0 : i32
    %scan3A_30 = arith.constant 80 : i32
    %scan3A_31 = arith.addi %scan3A_29, %scan3A_30 : i32
    %scan3A_32 = arith.constant 1 : i32
    scf.for %scan3A_41 = %scan3A_29 to %scan3A_31 step %scan3A_32  : i32 {
      %get3A = arith.index_cast %scan3A_41 : i32 to index
      %get3A_42 = arith.constant 0 : index
      %get3A_43 = tpu.vector_load %arg9[%get3A, %get3A_42] {strides = array<i32>} : memref<80x128xi32, #tpu.memory_space<vmem>>, vector<16xi32>,
      %get3A_44 = arith.index_cast %scan3A_41 : i32 to index
      %get3A_45 = arith.constant 0 : index
      %get3A_46 = tpu.vector_load %arg11[%get3A_44, %get3A_45] {strides = array<i32>} : memref<80x128xf32, #tpu.memory_space<vmem>>, vector<16xf32>,
      %gather3A = tpu.vector_load_idx %arg8[%get3A_43] : memref<10000xf32, #tpu.memory_space<vmem>>[vector<16xi32>], vector<16xf32>,
      %add3A_47 = arith.addf %gather3A, %get3A_46 : vector<16xf32>
      %swap3A_48 = arith.index_cast %scan3A_41 : i32 to index
      %swap3A_49 = arith.constant 0 : index
      %swap3A_50 = tpu.vector_load %arg12[%swap3A_48, %swap3A_49] {strides = array<i32>} : memref<80x128xf32, #tpu.memory_space<vmem>>, vector<16xf32>,
      tpu.vector_store %arg12[%swap3A_48, %swap3A_49], %add3A_47 {strides = array<i32>} : memref<80x128xf32, #tpu.memory_space<vmem>>, vector<16xf32>,
      %get3A_51 = arith.index_cast %scan3A_41 : i32 to index
      %get3A_52 = arith.constant 16 : index
      %get3A_53 = tpu.vector_load %arg9[%get3A_51, %get3A_52] {strides = array<i32>} : memref<80x128xi32, #tpu.memory_space<vmem>>, vector<16xi32>,
      %get3A_54 = arith.index_cast %scan3A_41 : i32 to index
      %get3A_55 = arith.constant 16 : index
      %get3A_56 = tpu.vector_load %arg11[%get3A_54, %get3A_55] {strides = array<i32>} : memref<80x128xf32, #tpu.memory_space<vmem>>, vector<16xf32>,
      %gather3A_57 = tpu.vector_load_idx %arg8[%get3A_53] : memref<10000xf32, #tpu.memory_space<vmem>>[vector<16xi32>], vector<16xf32>,
      %add3A_58 = arith.addf %gather3A_57, %get3A_56 : vector<16xf32>
      %swap3A_59 = arith.index_cast %scan3A_41 : i32 to index
      %swap3A_60 = arith.constant 16 : index
      %swap3A_61 = tpu.vector_load %arg12[%swap3A_59, %swap3A_60] {strides = array<i32>} : memref<80x128xf32, #tpu.memory_space<vmem>>, vector<16xf32>,
      tpu.vector_store %arg12[%swap3A_59, %swap3A_60], %add3A_58 {strides = array<i32>} : memref<80x128xf32, #tpu.memory_space<vmem>>, vector<16xf32>,
      %get3A_62 = arith.index_cast %scan3A_41 : i32 to index
      %get3A_63 = arith.constant 32 : index
      %get3A_64 = tpu.vector_load %arg9[%get3A_62, %get3A_63] {strides = array<i32>} : memref<80x128xi32, #tpu.memory_space<vmem>>, vector<16xi32>,
      %get3A_65 = arith.index_cast %scan3A_41 : i32 to index
      %get3A_66 = arith.constant 32 : index
      %get3A_67 = tpu.vector_load %arg11[%get3A_65, %get3A_66] {strides = array<i32>} : memref<80x128xf32, #tpu.memory_space<vmem>>, vector<16xf32>,
      %gather3A_68 = tpu.vector_load_idx %arg8[%get3A_64] : memref<10000xf32, #tpu.memory_space<vmem>>[vector<16xi32>], vector<16xf32>,
      %add3A_69 = arith.addf %gather3A_68, %get3A_67 : vector<16xf32>
      %swap3A_70 = arith.index_cast %scan3A_41 : i32 to index
      %swap3A_71 = arith.constant 32 : index
      %swap3A_72 = tpu.vector_load %arg12[%swap3A_70, %swap3A_71] {strides = array<i32>} : memref<80x128xf32, #tpu.memory_space<vmem>>, vector<16xf32>,
      tpu.vector_store %arg12[%swap3A_70, %swap3A_71], %add3A_69 {strides = array<i32>} : memref<80x128xf32, #tpu.memory_space<vmem>>, vector<16xf32>,
      %get3A_73 = arith.index_cast %scan3A_41 : i32 to index
      %get3A_74 = arith.constant 48 : index
      %get3A_75 = tpu.vector_load %arg9[%get3A_73, %get3A_74] {strides = array<i32>} : memref<80x128xi32, #tpu.memory_space<vmem>>, vector<16xi32>,
      %get3A_76 = arith.index_cast %scan3A_41 : i32 to index
      %get3A_77 = arith.constant 48 : index
      %get3A_78 = tpu.vector_load %arg11[%get3A_76, %get3A_77] {strides = array<i32>} : memref<80x128xf32, #tpu.memory_space<vmem>>, vector<16xf32>,
      %gather3A_79 = tpu.vector_load_idx %arg8[%get3A_75] : memref<10000xf32, #tpu.memory_space<vmem>>[vector<16xi32>], vector<16xf32>,
      %add3A_80 = arith.addf %gather3A_79, %get3A_78 : vector<16xf32>
      %swap3A_81 = arith.index_cast %scan3A_41 : i32 to index
      %swap3A_82 = arith.constant 48 : index
      %swap3A_83 = tpu.vector_load %arg12[%swap3A_81, %swap3A_82] {strides = array<i32>} : memref<80x128xf32, #tpu.memory_space<vmem>>, vector<16xf32>,
      tpu.vector_store %arg12[%swap3A_81, %swap3A_82], %add3A_80 {strides = array<i32>} : memref<80x128xf32, #tpu.memory_space<vmem>>, vector<16xf32>,
      %get3A_84 = arith.index_cast %scan3A_41 : i32 to index
      %get3A_85 = arith.constant 64 : index
      %get3A_86 = tpu.vector_load %arg9[%get3A_84, %get3A_85] {strides = array<i32>} : memref<80x128xi32, #tpu.memory_space<vmem>>, vector<16xi32>,
      %get3A_87 = arith.index_cast %scan3A_41 : i32 to index
      %get3A_88 = arith.constant 64 : index
      %get3A_89 = tpu.vector_load %arg11[%get3A_87, %get3A_88] {strides = array<i32>} : memref<80x128xf32, #tpu.memory_space<vmem>>, vector<16xf32>,
      %gather3A_90 = tpu.vector_load_idx %arg8[%get3A_86] : memref<10000xf32, #tpu.memory_space<vmem>>[vector<16xi32>], vector<16xf32>,
      %add3A_91 = arith.addf %gather3A_90, %get3A_89 : vector<16xf32>
      %swap3A_92 = arith.index_cast %scan3A_41 : i32 to index
      %swap3A_93 = arith.constant 64 : index
      %swap3A_94 = tpu.vector_load %arg12[%swap3A_92, %swap3A_93] {strides = array<i32>} : memref<80x128xf32, #tpu.memory_space<vmem>>, vector<16xf32>,
      tpu.vector_store %arg12[%swap3A_92, %swap3A_93], %add3A_91 {strides = array<i32>} : memref<80x128xf32, #tpu.memory_space<vmem>>, vector<16xf32>,
      %get3A_95 = arith.index_cast %scan3A_41 : i32 to index
      %get3A_96 = arith.constant 80 : index
      %get3A_97 = tpu.vector_load %arg9[%get3A_95, %get3A_96] {strides = array<i32>} : memref<80x128xi32, #tpu.memory_space<vmem>>, vector<16xi32>,
      %get3A_98 = arith.index_cast %scan3A_41 : i32 to index
      %get3A_99 = arith.constant 80 : index
      %get3A_100 = tpu.vector_load %arg11[%get3A_98, %get3A_99] {strides = array<i32>} : memref<80x128xf32, #tpu.memory_space<vmem>>, vector<16xf32>,
      %gather3A_101 = tpu.vector_load_idx %arg8[%get3A_97] : memref<10000xf32, #tpu.memory_space<vmem>>[vector<16xi32>], vector<16xf32>,
      %add3A_102 = arith.addf %gather3A_101, %get3A_100 : vector<16xf32>
      %swap3A_103 = arith.index_cast %scan3A_41 : i32 to index
      %swap3A_104 = arith.constant 80 : index
      %swap3A_105 = tpu.vector_load %arg12[%swap3A_103, %swap3A_104] {strides = array<i32>} : memref<80x128xf32, #tpu.memory_space<vmem>>, vector<16xf32>,
      tpu.vector_store %arg12[%swap3A_103, %swap3A_104], %add3A_102 {strides = array<i32>} : memref<80x128xf32, #tpu.memory_space<vmem>>, vector<16xf32>,
      %get3A_106 = arith.index_cast %scan3A_41 : i32 to index
      %get3A_107 = arith.constant 96 : index
      %get3A_108 = tpu.vector_load %arg9[%get3A_106, %get3A_107] {strides = array<i32>} : memref<80x128xi32, #tpu.memory_space<vmem>>, vector<16xi32>,
      %get3A_109 = arith.index_cast %scan3A_41 : i32 to index
      %get3A_110 = arith.constant 96 : index
      %get3A_111 = tpu.vector_load %arg11[%get3A_109, %get3A_110] {strides = array<i32>} : memref<80x128xf32, #tpu.memory_space<vmem>>, vector<16xf32>,
      %gather3A_112 = tpu.vector_load_idx %arg8[%get3A_108] : memref<10000xf32, #tpu.memory_space<vmem>>[vector<16xi32>], vector<16xf32>,
      %add3A_113 = arith.addf %gather3A_112, %get3A_111 : vector<16xf32>
      %swap3A_114 = arith.index_cast %scan3A_41 : i32 to index
      %swap3A_115 = arith.constant 96 : index
      %swap3A_116 = tpu.vector_load %arg12[%swap3A_114, %swap3A_115] {strides = array<i32>} : memref<80x128xf32, #tpu.memory_space<vmem>>, vector<16xf32>,
      tpu.vector_store %arg12[%swap3A_114, %swap3A_115], %add3A_113 {strides = array<i32>} : memref<80x128xf32, #tpu.memory_space<vmem>>, vector<16xf32>,
      %get3A_117 = arith.index_cast %scan3A_41 : i32 to index
      %get3A_118 = arith.constant 112 : index
      %get3A_119 = tpu.vector_load %arg9[%get3A_117, %get3A_118] {strides = array<i32>} : memref<80x128xi32, #tpu.memory_space<vmem>>, vector<16xi32>,
      %get3A_120 = arith.index_cast %scan3A_41 : i32 to index
      %get3A_121 = arith.constant 112 : index
      %get3A_122 = tpu.vector_load %arg11[%get3A_120, %get3A_121] {strides = array<i32>} : memref<80x128xf32, #tpu.memory_space<vmem>>, vector<16xf32>,
      %gather3A_123 = tpu.vector_load_idx %arg8[%get3A_119] : memref<10000xf32, #tpu.memory_space<vmem>>[vector<16xi32>], vector<16xf32>,
      %add3A_124 = arith.addf %gather3A_123, %get3A_122 : vector<16xf32>
      %swap3A_125 = arith.index_cast %scan3A_41 : i32 to index
      %swap3A_126 = arith.constant 112 : index
      %swap3A_127 = tpu.vector_load %arg12[%swap3A_125, %swap3A_126] {strides = array<i32>} : memref<80x128xf32, #tpu.memory_space<vmem>>, vector<16xf32>,
      tpu.vector_store %arg12[%swap3A_125, %swap3A_126], %add3A_124 {strides = array<i32>} : memref<80x128xf32, #tpu.memory_space<vmem>>, vector<16xf32>,
    }
    %scan3A_33 = arith.constant 80 : i32
    %scan3A_34 = arith.constant 0 : i32
    %scan3A_35 = arith.constant 0 : i32
    %scan3A_36 = arith.constant 80 : i32
    %scan3A_37 = arith.addi %scan3A_35, %scan3A_36 : i32
    %scan3A_38 = arith.constant 1 : i32
    scf.for %scan3A_41 = %scan3A_35 to %scan3A_37 step %scan3A_38  : i32 {
      "tpu.region"() ({
        %run_scoped3A = tpu.sem_alloc : memref<!tpu.dma_semaphore, #tpu.memory_space<semaphore_mem>>
        %dma_start3A = arith.constant 0 : i32
        %dma_start3A_42 = tpu.memref_slice %arg12[%scan3A_41, %dma_start3A] : memref<80x128xf32, #tpu.memory_space<vmem>> -> memref<1x128xf32, #tpu.memory_space<vmem>>
        %dma_start3A_43 = tpu.memref_squeeze %dma_start3A_42 : memref<1x128xf32, #tpu.memory_space<vmem>> -> memref<128xf32, #tpu.memory_space<vmem>>
        %dma_start3A_44 = arith.constant 0 : i32
        %dma_start3A_45 = tpu.memref_slice %arg10[%scan3A_41, %dma_start3A_44] : memref<80x128xi32, #tpu.memory_space<vmem>> -> memref<1x128xi32, #tpu.memory_space<vmem>>
        %dma_start3A_46 = tpu.memref_squeeze %dma_start3A_45 : memref<1x128xi32, #tpu.memory_space<vmem>> -> memref<128xi32, #tpu.memory_space<vmem>>
        %dma_start3A_47 = arith.constant 0 : i32
        %dma_start3A_48 = tpu.memref_slice %arg15[%dma_start3A_47] : memref<10240xf32, #tpu.memory_space<vmem_shared>> -> memref<10240xf32, #tpu.memory_space<vmem_shared>>
        tpu.enqueue_indirect_dma source(%dma_start3A_43 : memref<128xf32, #tpu.memory_space<vmem>>) target(%dma_start3A_48 : memref<10240xf32, #tpu.memory_space<vmem_shared>>) offsets(%dma_start3A_46 : memref<128xi32, #tpu.memory_space<vmem>>) semaphore(%run_scoped3A : memref<!tpu.dma_semaphore, #tpu.memory_space<semaphore_mem>>) {add = true}
        %dma_wait3A = arith.constant 0 : i32
        %dma_wait3A_49 = tpu.memref_slice %arg12[%scan3A_41, %dma_wait3A] : memref<80x128xf32, #tpu.memory_space<vmem>> -> memref<1x128xf32, #tpu.memory_space<vmem>>
        %dma_wait3A_50 = tpu.memref_squeeze %dma_wait3A_49 : memref<1x128xf32, #tpu.memory_space<vmem>> -> memref<128xf32, #tpu.memory_space<vmem>>
        %dma_wait3A_51 = arith.constant 0 : i32
        %dma_wait3A_52 = tpu.memref_slice %arg10[%scan3A_41, %dma_wait3A_51] : memref<80x128xi32, #tpu.memory_space<vmem>> -> memref<1x128xi32, #tpu.memory_space<vmem>>
        %dma_wait3A_53 = tpu.memref_squeeze %dma_wait3A_52 : memref<1x128xi32, #tpu.memory_space<vmem>> -> memref<128xi32, #tpu.memory_space<vmem>>
        %dma_wait3A_54 = arith.constant 0 : i32
        %dma_wait3A_55 = tpu.memref_slice %arg15[%dma_wait3A_54] : memref<10240xf32, #tpu.memory_space<vmem_shared>> -> memref<10240xf32, #tpu.memory_space<vmem_shared>>
        tpu.wait_indirect_dma semaphore(%run_scoped3A : memref<!tpu.dma_semaphore, #tpu.memory_space<semaphore_mem>>) src(%dma_wait3A_50 : memref<128xf32, #tpu.memory_space<vmem>>) dst(%dma_wait3A_55 : memref<10240xf32, #tpu.memory_space<vmem_shared>>)
        tpu.yield
      }) : () -> ()
      "tpu.region"() ({
        %run_scoped3A = tpu.sem_alloc : memref<!tpu.dma_semaphore, #tpu.memory_space<semaphore_mem>>
        %dma_start3A = arith.constant 0 : i32
        %dma_start3A_42 = tpu.memref_slice %arg10[%scan3A_41, %dma_start3A] : memref<80x128xi32, #tpu.memory_space<vmem>> -> memref<1x128xi32, #tpu.memory_space<vmem>>
        %dma_start3A_43 = tpu.memref_squeeze %dma_start3A_42 : memref<1x128xi32, #tpu.memory_space<vmem>> -> memref<128xi32, #tpu.memory_space<vmem>>
        %dma_start3A_44 = arith.constant 0 : i32
        %dma_start3A_45 = tpu.memref_slice %arg16[%dma_start3A_44] : memref<10240xf32, #tpu.memory_space<vmem_shared>> -> memref<10240xf32, #tpu.memory_space<vmem_shared>>
        tpu.enqueue_indirect_dma source(%arg14 : memref<128xf32, #tpu.memory_space<vmem>>) target(%dma_start3A_45 : memref<10240xf32, #tpu.memory_space<vmem_shared>>) offsets(%dma_start3A_43 : memref<128xi32, #tpu.memory_space<vmem>>) semaphore(%run_scoped3A : memref<!tpu.dma_semaphore, #tpu.memory_space<semaphore_mem>>) {add = true}
        %dma_wait3A = arith.constant 0 : i32
        %dma_wait3A_46 = tpu.memref_slice %arg10[%scan3A_41, %dma_wait3A] : memref<80x128xi32, #tpu.memory_space<vmem>> -> memref<1x128xi32, #tpu.memory_space<vmem>>
        %dma_wait3A_47 = tpu.memref_squeeze %dma_wait3A_46 : memref<1x128xi32, #tpu.memory_space<vmem>> -> memref<128xi32, #tpu.memory_space<vmem>>
        %dma_wait3A_48 = arith.constant 0 : i32
        %dma_wait3A_49 = tpu.memref_slice %arg16[%dma_wait3A_48] : memref<10240xf32, #tpu.memory_space<vmem_shared>> -> memref<10240xf32, #tpu.memory_space<vmem_shared>>
        tpu.wait_indirect_dma semaphore(%run_scoped3A : memref<!tpu.dma_semaphore, #tpu.memory_space<semaphore_mem>>) src(%arg14 : memref<128xf32, #tpu.memory_space<vmem>>) dst(%dma_wait3A_49 : memref<10240xf32, #tpu.memory_space<vmem_shared>>)
        tpu.yield
      }) : () -> ()
    }
    %scan3A_39 = arith.constant 80 : i32
    %barrier3A_40 = arith.constant 0 : index
    tpu.barrier barrier_id(%barrier3A_40)
    "tpu.region"() ({
      %run_scoped3A = tpu.sem_alloc : memref<!tpu.dma_semaphore, #tpu.memory_space<semaphore_mem>>
      %dma_start3A = tpu.memref_slice %arg6[%arg0, %mul3A_27] : memref<2x10240xf32, #tpu.memory_space<hbm>> -> memref<1x640xf32, #tpu.memory_space<hbm>>
      %dma_start3A_41 = tpu.memref_squeeze %dma_start3A : memref<1x640xf32, #tpu.memory_space<hbm>> -> memref<640xf32, #tpu.memory_space<hbm>>
      %dma_start3A_42 = tpu.memref_slice %arg15[%mul3A_27] : memref<10240xf32, #tpu.memory_space<vmem_shared>> -> memref<640xf32, #tpu.memory_space<vmem_shared>>
      tpu.enqueue_dma source(%dma_start3A_42 : memref<640xf32, #tpu.memory_space<vmem_shared>>) target(%dma_start3A_41 : memref<640xf32, #tpu.memory_space<hbm>>) target_semaphore(%run_scoped3A : memref<!tpu.dma_semaphore, #tpu.memory_space<semaphore_mem>>)
      %dma_wait3A = tpu.memref_slice %arg6[%arg0, %mul3A_27] : memref<2x10240xf32, #tpu.memory_space<hbm>> -> memref<1x640xf32, #tpu.memory_space<hbm>>
      %dma_wait3A_43 = tpu.memref_squeeze %dma_wait3A : memref<1x640xf32, #tpu.memory_space<hbm>> -> memref<640xf32, #tpu.memory_space<hbm>>
      %dma_wait3A_44 = tpu.memref_slice %arg15[%mul3A_27] : memref<10240xf32, #tpu.memory_space<vmem_shared>> -> memref<640xf32, #tpu.memory_space<vmem_shared>>
      tpu.wait_dma2 semaphore(%run_scoped3A : memref<!tpu.dma_semaphore, #tpu.memory_space<semaphore_mem>>) src(%dma_wait3A_44 : memref<640xf32, #tpu.memory_space<vmem_shared>>) dst(%dma_wait3A_43 : memref<640xf32, #tpu.memory_space<hbm>>)
      tpu.yield
    }) : () -> ()
    "tpu.region"() ({
      %run_scoped3A = tpu.sem_alloc : memref<!tpu.dma_semaphore, #tpu.memory_space<semaphore_mem>>
      %dma_start3A = tpu.memref_slice %arg7[%arg0, %mul3A_27] : memref<2x10240xf32, #tpu.memory_space<hbm>> -> memref<1x640xf32, #tpu.memory_space<hbm>>
      %dma_start3A_41 = tpu.memref_squeeze %dma_start3A : memref<1x640xf32, #tpu.memory_space<hbm>> -> memref<640xf32, #tpu.memory_space<hbm>>
      %dma_start3A_42 = tpu.memref_slice %arg16[%mul3A_27] : memref<10240xf32, #tpu.memory_space<vmem_shared>> -> memref<640xf32, #tpu.memory_space<vmem_shared>>
      tpu.enqueue_dma source(%dma_start3A_42 : memref<640xf32, #tpu.memory_space<vmem_shared>>) target(%dma_start3A_41 : memref<640xf32, #tpu.memory_space<hbm>>) target_semaphore(%run_scoped3A : memref<!tpu.dma_semaphore, #tpu.memory_space<semaphore_mem>>)
      %dma_wait3A = tpu.memref_slice %arg7[%arg0, %mul3A_27] : memref<2x10240xf32, #tpu.memory_space<hbm>> -> memref<1x640xf32, #tpu.memory_space<hbm>>
      %dma_wait3A_43 = tpu.memref_squeeze %dma_wait3A : memref<1x640xf32, #tpu.memory_space<hbm>> -> memref<640xf32, #tpu.memory_space<hbm>>
      %dma_wait3A_44 = tpu.memref_slice %arg16[%mul3A_27] : memref<10240xf32, #tpu.memory_space<vmem_shared>> -> memref<640xf32, #tpu.memory_space<vmem_shared>>
      tpu.wait_dma2 semaphore(%run_scoped3A : memref<!tpu.dma_semaphore, #tpu.memory_space<semaphore_mem>>) src(%dma_wait3A_44 : memref<640xf32, #tpu.memory_space<vmem_shared>>) dst(%dma_wait3A_43 : memref<640xf32, #tpu.memory_space<hbm>>)
      tpu.yield
    }) : () -> ()
    return
  }
}

module attributes {stable_mosaic.version = 14 : i64} {
  func.func @_prep_body(%arg0: memref<10000x128xf32, #tpu.memory_space<vmem>>, %arg1: memref<10000x128xf32, #tpu.memory_space<vmem>>, %arg2: memref<128x128xf32, #tpu.memory_space<vmem>>, %arg3: memref<128x128xf32, #tpu.memory_space<vmem>>, %arg4: memref<4x128xf32, #tpu.memory_space<vmem>>, %arg5: memref<128x128xf32, #tpu.memory_space<vmem>>, %arg6: memref<128x128xf32, #tpu.memory_space<vmem>>, %arg7: memref<128x1xf32, #tpu.memory_space<vmem>>, %arg8: memref<1x128xf32, #tpu.memory_space<vmem>>, %arg9: memref<1x128xf32, #tpu.memory_space<vmem>>, %arg10: memref<1x1xf32, #tpu.memory_space<vmem>>, %arg11: memref<10000x1xf32, #tpu.memory_space<vmem>>, %arg12: memref<10000x1xf32, #tpu.memory_space<vmem>>, %arg13: memref<10000x1xf32, #tpu.memory_space<vmem>>, %arg14: memref<10000x32xf32, #tpu.memory_space<vmem>>) attributes {dimension_semantics = [], scalar_prefetch = 0 : i64, scratch_operands = 0 : i64, tpu.core_type = #tpu.core_type<tc>} {
    %get3A = arith.constant 0 : index
    %get3A_0 = arith.constant 0 : index
    %get3A_1 = vector.load %arg7[%get3A, %get3A_0] : memref<128x1xf32, #tpu.memory_space<vmem>>, vector<128x1xf32>
    %get3A_2 = arith.constant 0 : index
    %get3A_3 = arith.constant 0 : index
    %get3A_4 = vector.load %arg6[%get3A_2, %get3A_3] : memref<128x128xf32, #tpu.memory_space<vmem>>, vector<128x128xf32>
    %dot_general3A = arith.constant dense<0.000000e+00> : vector<128x1xf32>
    %dot_general3A_5 = tpu.matmul %get3A_4, %get3A_1, %dot_general3A {dimension_numbers = #tpu.dot_dimension_numbers<[1], [0], [0], [1], [0, 0, 1, 1], [], []>, precision = #tpu.contract_precision<fp32>, transpose_lhs_hint = false} : vector<128x128xf32>, vector<128x1xf32>, vector<128x1xf32> -> vector<128x1xf32>
    %get3A_6 = arith.constant 0 : index
    %get3A_7 = arith.constant 0 : index
    %get3A_8 = vector.load %arg5[%get3A_6, %get3A_7] : memref<128x128xf32, #tpu.memory_space<vmem>>, vector<128x128xf32>
    %dot_general3A_9 = arith.constant dense<0.000000e+00> : vector<128x1xf32>
    %dot_general3A_10 = tpu.matmul %get3A_8, %get3A_1, %dot_general3A_9 {dimension_numbers = #tpu.dot_dimension_numbers<[1], [0], [0], [1], [0, 0, 1, 1], [], []>, precision = #tpu.contract_precision<fp32>, transpose_lhs_hint = false} : vector<128x128xf32>, vector<128x1xf32>, vector<128x1xf32> -> vector<128x1xf32>
    %get3A_11 = arith.constant 0 : index
    %get3A_12 = arith.constant 0 : index
    %get3A_13 = vector.load %arg2[%get3A_11, %get3A_12] : memref<128x128xf32, #tpu.memory_space<vmem>>, vector<128x128xf32>
    %dot_general3A_14 = arith.constant dense<0.000000e+00> : vector<128x1xf32>
    %dot_general3A_15 = tpu.matmul %get3A_13, %dot_general3A_5, %dot_general3A_14 {dimension_numbers = #tpu.dot_dimension_numbers<[1], [0], [0], [1], [0, 0, 1, 1], [], []>, precision = #tpu.contract_precision<fp32>, transpose_lhs_hint = false} : vector<128x128xf32>, vector<128x1xf32>, vector<128x1xf32> -> vector<128x1xf32>
    %get3A_16 = arith.constant 0 : index
    %get3A_17 = arith.constant 0 : index
    %get3A_18 = vector.load %arg3[%get3A_16, %get3A_17] : memref<128x128xf32, #tpu.memory_space<vmem>>, vector<128x128xf32>
    %dot_general3A_19 = arith.constant dense<0.000000e+00> : vector<128x1xf32>
    %dot_general3A_20 = tpu.matmul %get3A_18, %dot_general3A_5, %dot_general3A_19 {dimension_numbers = #tpu.dot_dimension_numbers<[1], [0], [0], [1], [0, 0, 1, 1], [], []>, precision = #tpu.contract_precision<fp32>, transpose_lhs_hint = false} : vector<128x128xf32>, vector<128x1xf32>, vector<128x1xf32> -> vector<128x1xf32>
    %get3A_21 = arith.constant 0 : index
    %get3A_22 = arith.constant 0 : index
    %get3A_23 = vector.load %arg4[%get3A_21, %get3A_22] : memref<4x128xf32, #tpu.memory_space<vmem>>, vector<4x128xf32>
    %dot_general3A_24 = arith.constant dense<0.000000e+00> : vector<4x1xf32>
    %dot_general3A_25 = tpu.matmul %get3A_23, %dot_general3A_5, %dot_general3A_24 {dimension_numbers = #tpu.dot_dimension_numbers<[1], [0], [0], [1], [0, 0, 1, 1], [], []>, precision = #tpu.contract_precision<fp32>, transpose_lhs_hint = false} : vector<4x128xf32>, vector<128x1xf32>, vector<4x1xf32> -> vector<4x1xf32>
    %get3A_26 = arith.constant 0 : index
    %get3A_27 = arith.constant 0 : index
    %get3A_28 = vector.load %arg8[%get3A_26, %get3A_27] : memref<1x128xf32, #tpu.memory_space<vmem>>, vector<1x128xf32>
    %dot_general3A_29 = arith.constant dense<0.000000e+00> : vector<1x1xf32>
    %dot_general3A_30 = tpu.matmul %get3A_28, %dot_general3A_5, %dot_general3A_29 {dimension_numbers = #tpu.dot_dimension_numbers<[1], [0], [0], [1], [0, 0, 1, 1], [], []>, precision = #tpu.contract_precision<fp32>, transpose_lhs_hint = false} : vector<1x128xf32>, vector<128x1xf32>, vector<1x1xf32> -> vector<1x1xf32>
    %get3A_31 = arith.constant 0 : index
    %get3A_32 = arith.constant 0 : index
    %get3A_33 = vector.load %arg9[%get3A_31, %get3A_32] : memref<1x128xf32, #tpu.memory_space<vmem>>, vector<1x128xf32>
    %dot_general3A_34 = arith.constant dense<0.000000e+00> : vector<1x1xf32>
    %dot_general3A_35 = tpu.matmul %get3A_33, %get3A_1, %dot_general3A_34 {dimension_numbers = #tpu.dot_dimension_numbers<[1], [0], [0], [1], [0, 0, 1, 1], [], []>, precision = #tpu.contract_precision<fp32>, transpose_lhs_hint = false} : vector<1x128xf32>, vector<128x1xf32>, vector<1x1xf32> -> vector<1x1xf32>
    %get3A_36 = arith.constant 0 : index
    %get3A_37 = arith.constant 0 : index
    %get3A_38 = vector.load %arg10[%get3A_36, %get3A_37] : memref<1x1xf32, #tpu.memory_space<vmem>>, vector<1x1xf32>
    %add3A = arith.addf %dot_general3A_35, %get3A_38 : vector<1x1xf32>
    %get3A_39 = arith.constant 0 : index
    %get3A_40 = arith.constant 0 : index
    %get3A_41 = vector.load %arg0[%get3A_39, %get3A_40] : memref<10000x128xf32, #tpu.memory_space<vmem>>, vector<10000x128xf32>
    %dot_general3A_42 = arith.constant dense<0.000000e+00> : vector<10000x1xf32>
    %dot_general3A_43 = tpu.matmul %get3A_41, %dot_general3A_20, %dot_general3A_42 {dimension_numbers = #tpu.dot_dimension_numbers<[1], [0], [0], [1], [0, 0, 1, 1], [], []>, precision = #tpu.contract_precision<fp32>, transpose_lhs_hint = false} : vector<10000x128xf32>, vector<128x1xf32>, vector<10000x1xf32> -> vector<10000x1xf32>
    %swap3A = arith.constant 0 : index
    %swap3A_44 = arith.constant 0 : index
    %swap3A_45 = vector.load %arg11[%swap3A, %swap3A_44] : memref<10000x1xf32, #tpu.memory_space<vmem>>, vector<10000x1xf32>
    tpu.vector_store %arg11[%swap3A, %swap3A_44], %dot_general3A_43 {strides = array<i32>} : memref<10000x1xf32, #tpu.memory_space<vmem>>, vector<10000x1xf32>,
    %dot_general3A_46 = arith.constant dense<0.000000e+00> : vector<10000x1xf32>
    %dot_general3A_47 = tpu.matmul %get3A_41, %dot_general3A_10, %dot_general3A_46 {dimension_numbers = #tpu.dot_dimension_numbers<[1], [0], [0], [1], [0, 0, 1, 1], [], []>, precision = #tpu.contract_precision<fp32>, transpose_lhs_hint = false} : vector<10000x128xf32>, vector<128x1xf32>, vector<10000x1xf32> -> vector<10000x1xf32>
    %add3A_48 = vector.broadcast %add3A : vector<1x1xf32> to vector<10000x1xf32>
    %add3A_49 = arith.addf %dot_general3A_47, %add3A_48 : vector<10000x1xf32>
    %swap3A_50 = arith.constant 0 : index
    %swap3A_51 = arith.constant 0 : index
    %swap3A_52 = vector.load %arg12[%swap3A_50, %swap3A_51] : memref<10000x1xf32, #tpu.memory_space<vmem>>, vector<10000x1xf32>
    tpu.vector_store %arg12[%swap3A_50, %swap3A_51], %add3A_49 {strides = array<i32>} : memref<10000x1xf32, #tpu.memory_space<vmem>>, vector<10000x1xf32>,
    %dot_general3A_53 = arith.constant dense<0.000000e+00> : vector<10000x1xf32>
    %dot_general3A_54 = tpu.matmul %get3A_41, %dot_general3A_15, %dot_general3A_53 {dimension_numbers = #tpu.dot_dimension_numbers<[1], [0], [0], [1], [0, 0, 1, 1], [], []>, precision = #tpu.contract_precision<fp32>, transpose_lhs_hint = false} : vector<10000x128xf32>, vector<128x1xf32>, vector<10000x1xf32> -> vector<10000x1xf32>
    %add3A_55 = vector.broadcast %dot_general3A_30 : vector<1x1xf32> to vector<10000x1xf32>
    %add3A_56 = arith.addf %dot_general3A_54, %add3A_55 : vector<10000x1xf32>
    %swap3A_57 = arith.constant 0 : index
    %swap3A_58 = arith.constant 0 : index
    %swap3A_59 = vector.load %arg13[%swap3A_57, %swap3A_58] : memref<10000x1xf32, #tpu.memory_space<vmem>>, vector<10000x1xf32>
    tpu.vector_store %arg13[%swap3A_57, %swap3A_58], %add3A_56 {strides = array<i32>} : memref<10000x1xf32, #tpu.memory_space<vmem>>, vector<10000x1xf32>,
    %iota3A = tpu.iota {dimensions = array<i32: 0>} : vector<128x32xi32>
    %iota3A_60 = tpu.iota {dimensions = array<i32: 1>} : vector<128x32xi32>
    %jit3A = arith.constant 4 : i32
    %div3A = vector.broadcast %jit3A : i32 to vector<128x32xi32>
    %div3A_61 = arith.divsi %iota3A, %div3A : vector<128x32xi32>
    %sign3A = arith.constant 0 : i32
    %sign3A_62 = vector.broadcast %sign3A : i32 to vector<128x32xi32>
    %sign3A_63 = arith.cmpi sgt, %iota3A, %sign3A_62 : vector<128x32xi32>
    %sign3A_64 = arith.extui %sign3A_63 : vector<128x32xi1> to vector<128x32xi32>
    %sign3A_65 = arith.constant 0 : i32
    %sign3A_66 = vector.broadcast %sign3A_65 : i32 to vector<128x32xi32>
    %sign3A_67 = arith.cmpi slt, %iota3A, %sign3A_66 : vector<128x32xi32>
    %sign3A_68 = arith.extui %sign3A_67 : vector<128x32xi1> to vector<128x32xi32>
    %sign3A_69 = arith.subi %sign3A_64, %sign3A_68 : vector<128x32xi32>
    %sign3A_70 = arith.constant 0 : i32
    %sign3A_71 = arith.cmpi sgt, %jit3A, %sign3A_70 : i32
    %sign3A_72 = arith.extui %sign3A_71 : i1 to i32
    %sign3A_73 = arith.constant 0 : i32
    %sign3A_74 = arith.cmpi slt, %jit3A, %sign3A_73 : i32
    %sign3A_75 = arith.extui %sign3A_74 : i1 to i32
    %sign3A_76 = arith.subi %sign3A_72, %sign3A_75 : i32
    %ne3A = vector.broadcast %sign3A_76 : i32 to vector<128x32xi32>
    %ne3A_77 = arith.cmpi ne, %sign3A_69, %ne3A : vector<128x32xi32>
    %rem3A = vector.broadcast %jit3A : i32 to vector<128x32xi32>
    %rem3A_78 = arith.remsi %iota3A, %rem3A : vector<128x32xi32>
    %ne3A_79 = arith.constant 0 : i32
    %ne3A_80 = vector.broadcast %ne3A_79 : i32 to vector<128x32xi32>
    %ne3A_81 = arith.cmpi ne, %rem3A_78, %ne3A_80 : vector<128x32xi32>
    %and3A = arith.andi %ne3A_77, %ne3A_81 : vector<128x32xi1>
    %sub3A = arith.constant 1 : i32
    %sub3A_82 = vector.broadcast %sub3A : i32 to vector<128x32xi32>
    %sub3A_83 = arith.subi %div3A_61, %sub3A_82 : vector<128x32xi32>
    %select_n3A = arith.select %and3A, %sub3A_83, %div3A_61 : vector<128x32xi1>, vector<128x32xi32>
    %eq3A = arith.cmpi eq, %select_n3A, %iota3A_60 : vector<128x32xi32>
    %convert_element_type3A = arith.extui %eq3A : vector<128x32xi1> to vector<128x32xi32>
    %convert_element_type3A_84 = arith.sitofp %convert_element_type3A : vector<128x32xi32> to vector<128x32xf32>
    %iota3A_85 = tpu.iota {dimensions = array<i32: 0>} : vector<128x4xi32>
    %iota3A_86 = tpu.iota {dimensions = array<i32: 1>} : vector<128x4xi32>
    %jit3A_87 = arith.constant 4 : i32
    %eq3A_88 = arith.constant 0 : i32
    %eq3A_89 = arith.cmpi eq, %jit3A_87, %eq3A_88 : i32
    %jit3A_90 = arith.constant 1 : i32
    %select_n3A_91 = arith.select %eq3A_89, %jit3A_90, %jit3A_87 : i32
    %rem3A_92 = vector.broadcast %select_n3A_91 : i32 to vector<128x4xi32>
    %rem3A_93 = arith.remsi %iota3A_85, %rem3A_92 : vector<128x4xi32>
    %ne3A_94 = arith.constant 0 : i32
    %ne3A_95 = vector.broadcast %ne3A_94 : i32 to vector<128x4xi32>
    %ne3A_96 = arith.cmpi ne, %rem3A_93, %ne3A_95 : vector<128x4xi32>
    %lt3A = arith.constant 0 : i32
    %lt3A_97 = vector.broadcast %lt3A : i32 to vector<128x4xi32>
    %lt3A_98 = arith.cmpi slt, %rem3A_93, %lt3A_97 : vector<128x4xi32>
    %lt3A_99 = arith.constant 0 : i32
    %lt3A_100 = arith.cmpi slt, %select_n3A_91, %lt3A_99 : i32
    %ne3A_101 = vector.broadcast %lt3A_100 : i1 to vector<128x4xi1>
    %ne3A_102 = vector.broadcast %ne3A_101 : vector<128x4xi1> to vector<128x4xi1>
    %ne3A_103 = arith.xori %lt3A_98, %ne3A_102 : vector<128x4xi1>
    %and3A_104 = arith.andi %ne3A_103, %ne3A_96 : vector<128x4xi1>
    %add3A_105 = vector.broadcast %select_n3A_91 : i32 to vector<128x4xi32>
    %add3A_106 = arith.addi %rem3A_93, %add3A_105 : vector<128x4xi32>
    %select_n3A_107 = arith.select %and3A_104, %add3A_106, %rem3A_93 : vector<128x4xi1>, vector<128x4xi32>
    %eq3A_108 = arith.cmpi eq, %select_n3A_107, %iota3A_86 : vector<128x4xi32>
    %convert_element_type3A_109 = arith.extui %eq3A_108 : vector<128x4xi1> to vector<128x4xi32>
    %convert_element_type3A_110 = arith.sitofp %convert_element_type3A_109 : vector<128x4xi32> to vector<128x4xf32>
    %dot_general3A_111 = arith.constant dense<0.000000e+00> : vector<128x1xf32>
    %dot_general3A_112 = tpu.matmul %convert_element_type3A_110, %dot_general3A_25, %dot_general3A_111 {dimension_numbers = #tpu.dot_dimension_numbers<[1], [0], [0], [1], [0, 0, 1, 1], [], []>, precision = #tpu.contract_precision<fp32>, transpose_lhs_hint = false} : vector<128x4xf32>, vector<4x1xf32>, vector<128x1xf32> -> vector<128x1xf32>
    %get3A_113 = arith.constant 0 : index
    %get3A_114 = arith.constant 0 : index
    %get3A_115 = vector.load %arg1[%get3A_113, %get3A_114] : memref<10000x128xf32, #tpu.memory_space<vmem>>, vector<10000x128xf32>
    %mul3A = vector.broadcast %dot_general3A_112 : vector<128x1xf32> to vector<128x32xf32>
    %mul3A_116 = arith.mulf %convert_element_type3A_84, %mul3A : vector<128x32xf32>
    %dot_general3A_117 = arith.constant dense<0.000000e+00> : vector<10000x32xf32>
    %dot_general3A_118 = tpu.matmul %get3A_115, %mul3A_116, %dot_general3A_117 {dimension_numbers = #tpu.dot_dimension_numbers<[1], [0], [0], [1], [0, 0, 1, 1], [], []>, precision = #tpu.contract_precision<fp32>, transpose_lhs_hint = false} : vector<10000x128xf32>, vector<128x32xf32>, vector<10000x32xf32> -> vector<10000x32xf32>
    %swap3A_119 = arith.constant 0 : index
    %swap3A_120 = arith.constant 0 : index
    %swap3A_121 = vector.load %arg14[%swap3A_119, %swap3A_120] : memref<10000x32xf32, #tpu.memory_space<vmem>>, vector<10000x32xf32>
    tpu.vector_store %arg14[%swap3A_119, %swap3A_120], %dot_general3A_118 {strides = array<i32>} : memref<10000x32xf32, #tpu.memory_space<vmem>>, vector<10000x32xf32>,
    return
  }
}

module attributes {stable_mosaic.version = 14 : i64} {
  func.func @_post_body(%arg0: memref<2x10240xf32, #tpu.memory_space<vmem>>, %arg1: memref<2x10240xf32, #tpu.memory_space<vmem>>, %arg2: memref<10240xf32, #tpu.memory_space<vmem>>, %arg3: memref<10240xf32, #tpu.memory_space<vmem>>, %arg4: memref<10240xf32, #tpu.memory_space<vmem>>, %arg5: memref<10240xi8, #tpu.memory_space<vmem>>) attributes {dimension_semantics = [], scalar_prefetch = 0 : i64, scratch_operands = 0 : i64, tpu.core_type = #tpu.core_type<tc>} {
    %get3A = arith.constant 0 : index
    %get3A_0 = arith.constant 0 : index
    %get3A_1 = vector.load %arg0[%get3A, %get3A_0] : memref<2x10240xf32, #tpu.memory_space<vmem>>, vector<2x10240xf32>
    %reduce_sum3A = arith.constant dense<0.000000e+00> : vector<10240xf32>
    %reduce_sum3A_2 = vector.multi_reduction <add>, %get3A_1, %reduce_sum3A [0] : vector<2x10240xf32> to vector<10240xf32>
    %get3A_3 = arith.constant 0 : index
    %get3A_4 = arith.constant 0 : index
    %get3A_5 = vector.load %arg1[%get3A_3, %get3A_4] : memref<2x10240xf32, #tpu.memory_space<vmem>>, vector<2x10240xf32>
    %reduce_sum3A_6 = arith.constant dense<0.000000e+00> : vector<10240xf32>
    %reduce_sum3A_7 = vector.multi_reduction <add>, %get3A_5, %reduce_sum3A_6 [0] : vector<2x10240xf32> to vector<10240xf32>
    %gt3A = arith.constant 0.000000e+00 : f32
    %gt3A_8 = vector.broadcast %gt3A : f32 to vector<10240xf32>
    %gt3A_9 = arith.cmpf ogt, %reduce_sum3A_7, %gt3A_8 : vector<10240xf32>
    %convert_element_type3A = arith.extui %gt3A_9 : vector<10240xi1> to vector<10240xi32>
    %convert_element_type3A_10 = arith.sitofp %convert_element_type3A : vector<10240xi32> to vector<10240xf32>
    %get3A_11 = arith.constant 0 : index
    %get3A_12 = vector.load %arg2[%get3A_11] : memref<10240xf32, #tpu.memory_space<vmem>>, vector<10240xf32>
    %get3A_13 = arith.constant 0 : index
    %get3A_14 = vector.load %arg3[%get3A_13] : memref<10240xf32, #tpu.memory_space<vmem>>, vector<10240xf32>
    %mul3A = arith.mulf %convert_element_type3A_10, %get3A_14 : vector<10240xf32>
    %add3A = arith.addf %get3A_12, %mul3A : vector<10240xf32>
    %max3A = arith.constant 1.000000e+00 : f32
    %max3A_15 = vector.broadcast %max3A : f32 to vector<10240xf32>
    %max3A_16 = arith.maximumf %reduce_sum3A_7, %max3A_15 : vector<10240xf32>
    %div3A = arith.divf %reduce_sum3A_2, %max3A_16 : vector<10240xf32>
    %add3A_17 = arith.addf %add3A, %div3A : vector<10240xf32>
    %logistic3A = arith.negf %add3A_17 : vector<10240xf32>
    %logistic3A_18 = math.exp %logistic3A : vector<10240xf32>
    %logistic3A_19 = arith.constant 1.000000e+00 : f32
    %logistic3A_20 = vector.broadcast %logistic3A_19 : f32 to vector<10240xf32>
    %logistic3A_21 = arith.addf %logistic3A_20, %logistic3A_18 : vector<10240xf32>
    %logistic3A_22 = arith.divf %logistic3A_20, %logistic3A_21 : vector<10240xf32>
    %swap3A = arith.constant 0 : index
    %swap3A_23 = vector.load %arg4[%swap3A] : memref<10240xf32, #tpu.memory_space<vmem>>, vector<10240xf32>
    tpu.vector_store %arg4[%swap3A], %logistic3A_22 {strides = array<i32>} : memref<10240xf32, #tpu.memory_space<vmem>>, vector<10240xf32>,
    %gt3A_24 = arith.constant 5.000000e-01 : f32
    %gt3A_25 = vector.broadcast %gt3A_24 : f32 to vector<10240xf32>
    %gt3A_26 = arith.cmpf ogt, %logistic3A_22, %gt3A_25 : vector<10240xf32>
    %convert_element_type3A_27 = arith.extui %gt3A_26 : vector<10240xi1> to vector<10240xi8>
    %swap3A_28 = arith.constant 0 : index
    %swap3A_29 = vector.load %arg5[%swap3A_28] : memref<10240xi8, #tpu.memory_space<vmem>>, vector<10240xi8>
    tpu.vector_store %arg5[%swap3A_28], %convert_element_type3A_27 {strides = array<i32>} : memref<10240xi8, #tpu.memory_space<vmem>>, vector<10240xi8>,
    return
  }
}

</mosaic_0001>

<sc_bundles>
// kernel: kernel.5.cloned.1.call-start
scs
__scs_entry_jumppad:
0x0: {  	(pc) =	sbr.rel $0x88, $3  }
0x1: {  	(tag) =	ssettag $0x0;
	lr =	simm.s32 $0x1  }
0x2: {  	[smem:$0x3F98] =	sst lr;
	_ =	strace $0xD0000000  }
0x3: {  	_ = 	snop  }
0x4: {  	_ = 	snop  }
0x5: {  	_ = 	snop  }
0x6: {  	_ = 	snop  }
0x7: {  	_ = 	snop  }
__scs_overlays_trampoline_lowered:
0x8: {  	[smem:$0x3FA7] =	sst s0  }
0x9: {  	[smem:$0x3FA8] =	sst s1  }
0xa: {  	[smem:$0x3FA9] =	sst s2  }
0xb: {  	[smem:$0x3FAA] =	sst s3  }
0xc: {  	[smem:$0x3FAB] =	sst s4  }
0xd: {  	[smem:$0x3FAC] =	sst s5  }
0xe: {  	[smem:$0x3FAD] =	sst s6  }
0xf: {  	[smem:$0x3FAE] =	sst s7  }
0x10: {  	[smem:$0x3FAF] =	sst s8  }
0x11: {  	[smem:$0x3FB0] =	sst s9;
	s0 =	simm.s32 @!p0 $0x0  }
0x12: {  	s1 =	sld [smem:$0x3F96];
	s0 =	simm.s32 @p0 $0x1  }
0x13: {  	[smem:$0x3FB1] =	sst s0;
	s0 =	simm.s32 @!p1 $0x0  }
0x14: {  	s2 =	sld [smem:$0x3F95];
	s0 =	simm.s32 @p1 $0x1  }
0x15: {  	[smem:$0x3FB2] =	sst s0;
	s0 =	simm.s32 @!p2 $0x0  }
0x16: {  	s3 =	sld [smem:$0x3FDB];
	s0 =	simm.s32 @p2 $0x1  }
0x17: {  	s4 =	simm.s32 $0x1BF5;
	[smem:$0x3FB4] =	sst s0  }
0x18: {  	s0 =	sld [smem:$0x3F97];
	_ =	swait.ge [sflag:s4], $0x0  }
0x19: {  	s7 =	sld [smem:$0x3F98]  }
0x1a: {  	s8 =	sadd.s32 $0xFFFFE003, lr  }
0x1b: {  	s9 =	sadd.s32 $0xFFFFFEF7, lr;
	s5 =	simm.s32 $0xFFFFFFFF;
	p2 =	slt.u32 s8, $0xFFFFF086  }
0x1c: {  	p1 =	slt.u32 s9, $0xF7A;
	s5 =	simm.s32 @!p2 $0x0  }
0x1d: {  	s5 =	simm.s32 @p1 $0x1;
	p0 =	seq.s32 s7, s2  }
0x1e: {  	s7 =	smul.u32 @!p0 $0xF7A, s2;
	p2 =	seq.s32 @!p0 s5, $0x0  }
0x1f: {  	s9 =	smul.u32 $0xF7A, s1;
	s8 =	simm.s32 @!p0 $0x1BF5;
	p2 =	por !p2, p0  }
0x20: {  	[sflag:s8] =	ssyncset.s32 @!p0 $0xFFFFF086;
	s6 =	sadd.s32 @!p0 s3, s7;
	s7 =	simm.s32 @!p0 $0x108  }
0x21: {  	s3 =	sadd.s32 s3, s9;
	s6 =	sadd.s32 @!p0 $0x88, s6;
	s7 =	simm.s32 @p2 $0x1082  }
0x22: {  	[simem:s7], [sflag:s8] =	dma.local @!p0 [hbm:s6], $0xF7A  }
0x23: {  	s9 =	sor.u32 $0xD0000000, s2;
	s6 =	simm.s32 $0x108;
	_ =	swait.ge @!p0 [sflag:s8], $0x0  }
0x24: {  	s3 =	sadd.s32 $0x88, s3;
	s6 =	simm.s32 @!p1 $0x1082;
	[sflag:s4] =	ssyncset.s32 $0xFFFFF086  }
0x25: {  	[simem:s6], [sflag:s4] =	dma.local [hbm:s3], $0xF7A  }
0x26: {  	[smem:$0x3F98] =	sst s1;
	(tag) =	ssettag s2;
	_ =	strace s9  }
0x27: {  	s1 =	sld [smem:$0x3FA8]  }
0x28: {  	s2 =	sld [smem:$0x3FA9]  }
0x29: {  	s4 =	sld [smem:$0x3FAB]  }
0x2a: {  	p0 =	seq.s32 s5, $0x0;
	s5 =	sld [smem:$0x3FAC]  }
0x2b: {  	s6 =	sld [smem:$0x3FAD]  }
0x2c: {  	s7 =	sld [smem:$0x3FAE]  }
0x2d: {  	s3 =	simm.s32 $0x108;
	s8 =	sld [smem:$0x3FAF]  }
0x2e: {  	s3 =	simm.s32 @!p0 $0x1082;
	s9 =	sld [smem:$0x3FB0]  }
0x2f: {  	lr =	sadd.s32 s0, s3;
	s0 =	sld [smem:$0x3FA7]  }
0x30: {  	s3 =	sld [smem:$0x3FAA]  }
0x31: {  	[smem:$0x3FB3] =	sst s10  }
0x32: {  	s10 =	sld [smem:$0x3FB1];
	_ =	sdelay $0x3  }
0x33: {  	p0 =	seq.s32 s10, $0x1;
	s10 =	sld [smem:$0x3FB3];
	_ =	sdelay $0x3  }
0x34: {  	[smem:$0x3FB3] =	sst s10  }
0x35: {  	s10 =	sld [smem:$0x3FB2];
	_ =	sdelay $0x3  }
0x36: {  	p1 =	seq.s32 s10, $0x1;
	s10 =	sld [smem:$0x3FB3];
	_ =	sdelay $0x3  }
0x37: {  	[smem:$0x3FB3] =	sst s10  }
0x38: {  	s10 =	sld [smem:$0x3FB4]  }
0x39: {  	_ = 	snop;
	(pc) =	sbr.ind lr, $3  }
0x3a: {  	_ = 	snop  }
0x3b: {  	_ = 	snop  }
0x3c: {  	p2 =	seq.s32 s10, $0x1;
	s10 =	sld [smem:$0x3FB3]  }
0x3d: {  	_ =	shalt  }
0x3e: {  	_ =	shalt  }
0x3f: {  	_ =	shalt  }
0x40: {  	_ =	shalt  }
0x41: {  	_ =	shalt  }
0x42: {  	_ =	shalt  }
0x43: {  	_ =	shalt  }
0x44: {  	_ =	shalt  }
0x45: {  	_ =	shalt  }
0x46: {  	_ =	shalt  }
0x47: {  	_ =	shalt  }
0x48: {  	_ =	shalt  }
0x49: {  	_ =	shalt  }
0x4a: {  	_ =	shalt  }
0x4b: {  	_ =	shalt  }
0x4c: {  	_ =	shalt  }
0x4d: {  	_ =	shalt  }
0x4e: {  	_ =	shalt  }
0x4f: {  	_ =	shalt  }
0x50: {  	_ =	shalt  }
0x51: {  	_ =	shalt  }
0x52: {  	_ =	shalt  }
0x53: {  	_ =	shalt  }
0x54: {  	_ =	shalt  }
0x55: {  	_ =	shalt  }
0x56: {  	_ =	shalt  }
0x57: {  	_ =	shalt  }
0x58: {  	_ =	shalt  }
0x59: {  	_ =	shalt  }
0x5a: {  	_ =	shalt  }
0x5b: {  	_ =	shalt  }
0x5c: {  	_ =	shalt  }
0x5d: {  	_ =	shalt  }
0x5e: {  	_ =	shalt  }
0x5f: {  	_ =	shalt  }
0x60: {  	_ =	shalt  }
0x61: {  	_ =	shalt  }
0x62: {  	_ =	shalt  }
0x63: {  	_ =	shalt  }
0x64: {  	_ =	shalt  }
0x65: {  	_ =	shalt  }
0x66: {  	_ =	shalt  }
0x67: {  	_ =	shalt  }
0x68: {  	_ =	shalt  }
0x69: {  	_ =	shalt  }
0x6a: {  	_ =	shalt  }
0x6b: {  	_ =	shalt  }
0x6c: {  	_ =	shalt  }
0x6d: {  	_ =	shalt  }
0x6e: {  	_ =	shalt  }
0x6f: {  	_ =	shalt  }
0x70: {  	_ =	shalt  }
0x71: {  	_ =	shalt  }
0x72: {  	_ =	shalt  }
0x73: {  	_ =	shalt  }
0x74: {  	_ =	shalt  }
0x75: {  	_ =	shalt  }
0x76: {  	_ =	shalt  }
0x77: {  	_ =	shalt  }
0x78: {  	_ =	shalt  }
0x79: {  	_ =	shalt  }
0x7a: {  	_ =	shalt  }
0x7b: {  	_ =	shalt  }
0x7c: {  	_ =	shalt  }
0x7d: {  	_ =	shalt  }
0x7e: {  	_ =	shalt  }
0x7f: {  	_ =	shalt  }
0x80: {  	_ =	shalt  }
0x81: {  	_ =	shalt  }
0x82: {  	_ =	shalt  }
0x83: {  	_ =	shalt  }
0x84: {  	_ =	shalt  }
0x85: {  	_ =	shalt  }
0x86: {  	_ =	shalt  }
0x87: {  	_ =	shalt  }
.Lfunc_end0:
.L_simem_size_0:
called_computation_lowered:
.L_overlay_start_0:
0x88: {  	s2 =	sld [smem:$0x3FD9]  }
0x89: {  	s3 =	sld [smem:$0x3FFE];
	_ =	sdelay $0x1  }
0x8a: {  	s1 =	srdreg.scid  }
0x8b: {  	s0 =	sand.u32 $0x1, s1  }
0x8c: {  	s16 =	sshll.u32 s0, $0xA;
	s2 =	sadd.s32 s3, s2  }
0x8d: {  	s2 =	sadd.s32 s2, s16  }
0x8e: {  	[smem:$0x3FBF] =	sst s2  }
0x8f: {  	_ = 	snop  }
0x90: {  	(tm) =	ssettm $0x1  }
0x91: {  	s17 =	sld [smem:$0x3FFB];
	_ =	sdelay $0x3  }
0x92: {  	_ =	strace s17  }
0x93: {  	s2 =	sld [smem:$0x3FFC];
	_ =	sdelay $0x3  }
0x94: {  	_ =	strace s2  }
0x95: {  	s2 =	sld [smem:$0x3FFD];
	_ =	sdelay $0x3  }
0x96: {  	_ =	strace s2  }
0x97: {  	_ =	strace $0x8FFFFFFF  }
0x98: {  	s18 =	sld [smem:$0x3FDB];
	_ =	sdelay $0x1  }
0x99: {  	s19 =	simm.s32 $_scs_section_size  }
0x9a: {  	s4 =	simm.s32 $_size__tile_overlayer_lowered;
	s5 =	simm.s32 $_tile_overlayer_lowered  }
0x9b: {  	s22 =	simm.s32 $0x1BFF;
	s21 =	sshll.u32 s5, $0x1;
	s2 =	sadd.s32 s19, s18  }
0x9c: {  	s6 =	simm.s32 $0x0;
	s20 =	sshll.u32 s4, $0x1;
	s4 =	sadd.s32 s21, s2  }
0x9d: {  	[timem:s6], [sflag:s22] =	dma.local [hbm:s4], s20  }
0x9e: {  	_ =	swait.ge [sflag:s22], s20  }
0x9f: {  	s3 =	ssub.s32 $0x0, s20;
	[sflag:s22] =	ssyncset.done $0x0  }
0xa0: {  	[sflag:s22] =	ssyncadd.s32 s3;
	_ =	sdelay $0x1  }
0xa1: {  	s23 =	simm.s32 $0x1B8B  }
0xa2: {  	_ =	swait.ge [sflag:s23], $0x1  }
0xa3: {  	[sflag:s23] =	ssyncset.done $0x0  }
0xa4: {  	s25 =	simm.s32 $0x1B8E;
	s24 =	sld [smem:$0x3FFE];
	[sflag:s23] =	ssyncadd.s32 $0xFFFFFFFF  }
0xa5: {  	s26 =	simm.s32 $execute0_lowered;
	[smem:$0x3FD2] =	sst s25  }
0xa6: {  	s4 =	sshll.u32 s26, $0x1;
	_ =	strace $0x80000046;
	[dreg:$0x1] =	wrdreg $0xFFFFFFFF  }
0xa7: {  	s28 =	simm.s32 $_size_execute0_lowered;
	s2 =	sadd.s32 s2, s4;
	[dreg:$0x0] =	wrdreg $0x0  }
0xa8: {  	s4 =	sshll.u32 s28, $0x1;
	[dreg:$0x2] =	wrdreg s2  }
0xa9: {  	[dreg:$0x3] =	wrdreg s4  }
0xaa: {  	[dreg:$0x4] =	wrdreg $0xC0  }
0xab: {  	_ =	task [dreg:s6], $0x5FFFF  }
0xac: {  	[dreg:$0x1] =	wrdreg $0xFFFFFFFF  }
0xad: {  	[dreg:$0x0] =	wrdreg $0x60  }
0xae: {  	[dreg:$0x2] =	wrdreg s24  }
0xaf: {  	[dreg:$0x3] =	wrdreg $0xCA800  }
0xb0: {  	[dreg:$0x4] =	wrdreg $0xCD000  }
0xb1: {  	[dreg:$0x5] =	wrdreg $0x9  }
0xb2: {  	_ =	task.clear_ibuf [dreg:s6], $0x6FFFF;
	_ =	strace $0x90000046  }
0xb3: {  	s29 =	simm.s32 $0x9;
	_ =	strace $0x80000048  }
0xb4: {  	_ =	swait.ge [sflag:s29], $0x1  }
0xb5: {  	[sflag:s29] =	ssyncadd.s32 $0xFFFFFFFF  }
0xb6: {  	_ =	strace $0x90000048  }
0xb7: {  	_ =	sfence  }
0xb8: {  	s30 =	sld [smem:$0x0];
	_ =	sdelay $0x2  }
0xb9: {  	s31 =	sshll.u32 s1, $0xD;
	s1 =	sshrl.u32 s1, $0x2  }
0xba: {  	s3 =	sand.u32 $0x4000, s31;
	s1 =	sadd.s32 s1, s30  }
0xbb: {  	s0 =	sor.u32 s3, s0;
	s1 =	sshll.u32 s1, $0x11  }
0xbc: {  	s0 =	sor.u32 s1, s0  }
0xbd: {  	s0 =	sadd.s32 $0x8F2B, s0  }
0xbe: {  	[sflag:s0] =	ssyncadd.remote.s32 $0x1  }
0xbf: {  	_ =	sfence.sel $0xFFFF  }
0xc0: {  	[dreg:$0x0] =	wrdreg $0xFFFFFFFF;
	(pc) =	sbr.abs _section_cstart, $3  }
0xc1: {  	[dreg:$0x1] =	wrdreg $0xFFFFFFFF  }
0xc2: {  	_ =	task.clear_ibuf [dreg:s6], $0x2FFFF;
	_ =	strace $0x9FFFFFFF  }
0xc3: {  	(tm) =	ssettm $0x7FFFFFFF  }
tec
execute0_lowered:
.L_overlay_start_1:
0x0: {  	(tag) =	ssettag $0x1  }
0x1: {  	s6 =	rddreg [dreg:$0x0]  }
0x2: {  	s2 =	rddreg [dreg:$0x1]  }
0x3: {  	s3 =	rddreg [dreg:$0x2]  }
0x4: {  	s0 =	rddreg [dreg:$0x3]  }
0x5: {  	s5 =	srdreg.scid;
	s1 =	stileid.u32  }
0x6: {  	s4 =	simm.s32 $0x0;
	s14 =	simm.s32 $0x1;
	s15 =	simm.s32 $0x2780  }
0x7: {  	s16 =	simm.s32 $0x4F80;
	s17 =	simm.s32 $0x7780;
	s18 =	simm.s32 $0xC780  }
0x8: {  	s19 =	simm.s32 $0x80;
	s20 =	simm.s32 $0xCA00;
	s23 =	simm.s32 $0x20  }
0x9: {  	s24 =	simm.s32 $0x10;
	s25 =	simm.s32 $0x0;
	s7 =	sand.u32 $0x1, s5  }
0xa: {  	s29 =	sshll.u32 s1, $0x1;
	[smem:$0x7FF] =	sst s4;
	s8 =	smul.u32 $0x500, s1  }
0xb: {  	s31 =	smul.u32 $0x280, s1;
	s21 =	sshll.u32 s1, $0x6;
	s5 =	sor.u32 s7, s29  }
0xc: {  	_ =	strace $0x80000047;
	s10 =	sshll.u32 s7, $0x7;
	s7 =	ssub.s32 $0x2, s7  }
0xd: {  	s21 =	sor.u32 $0x1C01, s21;
	s9 =	smul.u32 $0x500, s5;
	s5 =	sadd.s32 $0x1800, s6  }
0xe: {  	s8 =	sor.u32 s10, s8;
	s30 =	sshrl.u32 s7, $0x1;
	s10 =	sadd.s32 s31, s3  }
0xf: {  	s8 =	sshrl.u32 s8, $0x3;
	s13 =	ssub.s32 s7, s30;
	s9 =	sadd.s32 s9, s6  }
0x10: {  	s12 =	sadd.s32 s8, s6;
	s13 =	smax.u32 s13, $0x1;
	s6 =	sadd.s32 $0xBE00, s9  }
0x11: {  	s7 =	sadd.s32 $0x1E00, s9;
	s8 =	sadd.s32 $0x17C00, s9;
	s9 =	sadd.s32 s31, s2  }
0x12: {  	v0 =	vimm.f32 $0.0e+00;
	v1 =	vimm.f32 $1.000000000e+00;
	s11 =	sadd.s32 $0x15E00, s12;
	s12 =	sadd.s32 $0x16800, s12;
	s22 =	sshrl.u32 s9, $0x3  }
.LBB2_1:
0x13: {  	[tilespmem:s4], [sflag:$0x1] =	stream.linear.gather [hbm4b:s5+s4], $0x2780, $0x38;
	[tilespmem:$0xCF80] =	vst v63  }
0x14: {  	_ =	swait.ge [sflag:s14], $0x2780  }
0x15: {  	[sflag:s14] =	ssyncset.done $0x0  }
0x16: {  	[sflag:s14] =	ssyncadd.s32 $0xFFFFD880  }
0x17: {  	[tilespmem:s15], [sflag:$0x1] =	stream.linear.gather [hbm4b:s6+s4], $0x2800, $0x38;
	[tilespmem:$0xCF80] =	vst v63  }
0x18: {  	_ =	swait.ge [sflag:s14], $0x2800  }
0x19: {  	[sflag:s14] =	ssyncset.done $0x0  }
0x1a: {  	[sflag:s14] =	ssyncadd.s32 $0xFFFFD800  }
0x1b: {  	[tilespmem:s16], [sflag:$0x1] =	stream.linear.gather [hbm4b:s7+s4], $0x2800, $0x38;
	[tilespmem:$0xCF80] =	vst v63  }
0x1c: {  	_ =	swait.ge [sflag:s14], $0x2800  }
0x1d: {  	[sflag:s14] =	ssyncset.done $0x0  }
0x1e: {  	[sflag:s14] =	ssyncadd.s32 $0xFFFFD800  }
0x1f: {  	[tilespmem:s17], [sflag:$0x1] =	stream.linear.gather [hbm4b:s8+s4], $0x2800, $0x38;
	[tilespmem:$0xCF80] =	vst v63  }
0x20: {  	_ =	swait.ge [sflag:s14], $0x2800  }
0x21: {  	[sflag:s14] =	ssyncset.done $0x0  }
0x22: {  	[sflag:s14] =	ssyncadd.s32 $0xFFFFD800  }
0x23: {  	[tilespmem:$0xC780] =	vst v0  }
0x24: {  	[tilespmem:$0xC790] =	vst v0  }
0x25: {  	[tilespmem:$0xC7A0] =	vst v0  }
0x26: {  	[tilespmem:$0xC7B0] =	vst v0  }
0x27: {  	[tilespmem:$0xC7C0] =	vst v0  }
0x28: {  	[tilespmem:$0xC7D0] =	vst v0  }
0x29: {  	[tilespmem:$0xC7E0] =	vst v0  }
0x2a: {  	[tilespmem:$0xC7F0] =	vst v0  }
0x2b: {  	[tilespmem:$0xC800] =	vst v0  }
0x2c: {  	[tilespmem:$0xC810] =	vst v0  }
0x2d: {  	[tilespmem:$0xC820] =	vst v0  }
0x2e: {  	[tilespmem:$0xC830] =	vst v0  }
0x2f: {  	[tilespmem:$0xC840] =	vst v0  }
0x30: {  	[tilespmem:$0xC850] =	vst v0  }
0x31: {  	[tilespmem:$0xC860] =	vst v0  }
0x32: {  	[tilespmem:$0xC870] =	vst v0  }
0x33: {  	[tilespmem:$0xC880] =	vst v0  }
0x34: {  	[tilespmem:$0xC890] =	vst v0  }
0x35: {  	[tilespmem:$0xC8A0] =	vst v0  }
0x36: {  	[tilespmem:$0xC8B0] =	vst v0  }
0x37: {  	[tilespmem:$0xC8C0] =	vst v0  }
0x38: {  	[tilespmem:$0xC8D0] =	vst v0  }
0x39: {  	[tilespmem:$0xC8E0] =	vst v0  }
0x3a: {  	[tilespmem:$0xC8F0] =	vst v0  }
0x3b: {  	[tilespmem:$0xC900] =	vst v0  }
0x3c: {  	[tilespmem:$0xC910] =	vst v0  }
0x3d: {  	[tilespmem:$0xC920] =	vst v0  }
0x3e: {  	[tilespmem:$0xC930] =	vst v0  }
0x3f: {  	[tilespmem:$0xC940] =	vst v0  }
0x40: {  	[tilespmem:$0xC950] =	vst v0  }
0x41: {  	[tilespmem:$0xC960] =	vst v0  }
0x42: {  	[tilespmem:$0xC970] =	vst v0  }
0x43: {  	[tilespmem:$0xC980] =	vst v0  }
0x44: {  	[tilespmem:$0xC990] =	vst v0  }
0x45: {  	[tilespmem:$0xC9A0] =	vst v0  }
0x46: {  	[tilespmem:$0xC9B0] =	vst v0  }
0x47: {  	[tilespmem:$0xC9C0] =	vst v0  }
0x48: {  	[tilespmem:$0xC9D0] =	vst v0  }
0x49: {  	[tilespmem:$0xC9E0] =	vst v0  }
0x4a: {  	[tilespmem:$0xC9F0] =	vst v0  }
0x4b: {  	[tilespmem:$0xCA00] =	vst v1  }
0x4c: {  	[tilespmem:$0xCA10] =	vst v1  }
0x4d: {  	[tilespmem:$0xCA20] =	vst v1  }
0x4e: {  	[tilespmem:$0xCA30] =	vst v1  }
0x4f: {  	[tilespmem:$0xCA40] =	vst v1  }
0x50: {  	[tilespmem:$0xCA50] =	vst v1  }
0x51: {  	[tilespmem:$0xCA60] =	vst v1  }
0x52: {  	[tilespmem:$0xCA70] =	vst v1  }
0x53: {  	[spmem:s9] =	stream.linear.scatter [tilespmem:s18], [sflag:$0x1], $0x280, $0x38;
	[tilespmem:$0xCF80] =	vst v63  }
0x54: {  	_ =	swait.ge [sflag:s14], $0x280  }
0x55: {  	[sflag:s14] =	ssyncset.done $0x0  }
0x56: {  	[sflag:s14] =	ssyncadd.s32 $0xFFFFFD80  }
0x57: {  	[spmem:s10] =	stream.linear.scatter [tilespmem:s18], [sflag:$0x1], $0x280, $0x38;
	[tilespmem:$0xCF80] =	vst v63  }
0x58: {  	_ =	swait.ge [sflag:s14], $0x280  }
0x59: {  	[sflag:s14] =	ssyncset.done $0x0  }
0x5a: {  	[sflag:s14] =	ssyncadd.s32 $0xFFFFFD80  }
0x5b: {  	s26 =	simm.s32 $0x0;
	[bflag:$0x0] =	sbarrier.arrive $0xFFFF  }
0x5c: {  	v2 =	vld [tilespmem:s26+$0x2780];
	_ =	sdelay $0x5  }
0x5d: {  	v3 =	vld [tilespmem:s26+$0x7780]  }
0x5e: {  	v4 =	vld [tilespmem:s26+$0x2790]  }
0x5f: {  	v2 =	vld.idx.msk [tilespmem:v2+s4+$0x0], $0xffff;
	_ =	sdelay $0x4  }
0x60: {  	v2 =	vadd.f32 v2, v3;
	_ =	sdelay $0x1  }
0x61: {  	[tilespmem:s26+$0x9F80] =	vst v2;
	v2 =	vld [tilespmem:s26+$0x7790]  }
0x62: {  	v3 =	vld.idx.msk [tilespmem:v4+s4+$0x0], $0xffff  }
0x63: {  	v4 =	vld [tilespmem:s26+$0x27A0];
	_ =	sdelay $0x4  }
0x64: {  	v2 =	vadd.f32 v3, v2;
	_ =	sdelay $0x1  }
0x65: {  	[tilespmem:s26+$0x9F90] =	vst v2;
	v2 =	vld [tilespmem:s26+$0x77A0]  }
0x66: {  	v3 =	vld.idx.msk [tilespmem:v4+s4+$0x0], $0xffff  }
0x67: {  	v4 =	vld [tilespmem:s26+$0x27B0];
	_ =	sdelay $0x4  }
0x68: {  	v2 =	vadd.f32 v3, v2;
	_ =	sdelay $0x1  }
0x69: {  	[tilespmem:s26+$0x9FA0] =	vst v2;
	v2 =	vld [tilespmem:s26+$0x77B0]  }
0x6a: {  	v3 =	vld.idx.msk [tilespmem:v4+s4+$0x0], $0xffff  }
0x6b: {  	v4 =	vld [tilespmem:s26+$0x27C0];
	_ =	sdelay $0x4  }
0x6c: {  	v2 =	vadd.f32 v3, v2;
	_ =	sdelay $0x1  }
0x6d: {  	[tilespmem:s26+$0x9FB0] =	vst v2;
	v2 =	vld [tilespmem:s26+$0x77C0]  }
0x6e: {  	v3 =	vld.idx.msk [tilespmem:v4+s4+$0x0], $0xffff  }
0x6f: {  	v4 =	vld [tilespmem:s26+$0x27D0];
	_ =	sdelay $0x4  }
0x70: {  	v2 =	vadd.f32 v3, v2;
	_ =	sdelay $0x1  }
0x71: {  	[tilespmem:s26+$0x9FC0] =	vst v2;
	v2 =	vld [tilespmem:s26+$0x77D0]  }
0x72: {  	v3 =	vld.idx.msk [tilespmem:v4+s4+$0x0], $0xffff  }
0x73: {  	v4 =	vld [tilespmem:s26+$0x27E0];
	_ =	sdelay $0x4  }
0x74: {  	v2 =	vadd.f32 v3, v2;
	_ =	sdelay $0x1  }
0x75: {  	[tilespmem:s26+$0x9FD0] =	vst v2;
	v2 =	vld [tilespmem:s26+$0x77E0]  }
0x76: {  	v3 =	vld.idx.msk [tilespmem:v4+s4+$0x0], $0xffff  }
0x77: {  	v4 =	vld [tilespmem:s26+$0x27F0];
	_ =	sdelay $0x4  }
0x78: {  	v2 =	vadd.f32 v3, v2;
	_ =	sdelay $0x1  }
0x79: {  	[tilespmem:s26+$0x9FE0] =	vst v2;
	v2 =	vld [tilespmem:s26+$0x77F0]  }
0x7a: {  	s30 =	simm.s32 $0x80;
	s29 =	simm.s32 $0x400;
	v3 =	vld.idx.msk [tilespmem:v4+s4+$0x0], $0xffff  }
.LBB2_2:
0x7b: {  	p0 =	sne.s32 s29, $0x9E00;
	v4 =	vld [tilespmem:s30+$0x2780];
	_ =	sdelay $0x4  }
0x7c: {  	v2 =	vadd.f32 v3, v2;
	_ =	sdelay $0x1  }
0x7d: {  	s28 =	simm.s32 $0x0;
	v3 =	vld [tilespmem:s30+$0x7780];
	[tilespmem:s26+$0x9FF0] =	vst v2;
	s26 =	smov.u32 s30  }
0x7e: {  	v2 =	vld.idx.msk [tilespmem:v4+s28+$0x0], $0xffff  }
0x7f: {  	v4 =	vld [tilespmem:s26+$0x2790];
	_ =	sdelay $0x4  }
0x80: {  	v2 =	vadd.f32 v2, v3;
	_ =	sdelay $0x1  }
0x81: {  	[tilespmem:s26+$0x9F80] =	vst v2;
	v2 =	vld [tilespmem:s26+$0x7790]  }
0x82: {  	v3 =	vld.idx.msk [tilespmem:v4+s28+$0x0], $0xffff  }
0x83: {  	v4 =	vld [tilespmem:s26+$0x27A0];
	_ =	sdelay $0x4  }
0x84: {  	v2 =	vadd.f32 v3, v2;
	_ =	sdelay $0x1  }
0x85: {  	[tilespmem:s26+$0x9F90] =	vst v2;
	v2 =	vld [tilespmem:s26+$0x77A0]  }
0x86: {  	v3 =	vld.idx.msk [tilespmem:v4+s28+$0x0], $0xffff  }
0x87: {  	v4 =	vld [tilespmem:s26+$0x27B0];
	_ =	sdelay $0x4  }
0x88: {  	v2 =	vadd.f32 v3, v2;
	_ =	sdelay $0x1  }
0x89: {  	[tilespmem:s26+$0x9FA0] =	vst v2;
	v2 =	vld [tilespmem:s26+$0x77B0]  }
0x8a: {  	v3 =	vld.idx.msk [tilespmem:v4+s28+$0x0], $0xffff  }
0x8b: {  	v4 =	vld [tilespmem:s26+$0x27C0];
	_ =	sdelay $0x4  }
0x8c: {  	v2 =	vadd.f32 v3, v2;
	_ =	sdelay $0x1  }
0x8d: {  	[tilespmem:s26+$0x9FB0] =	vst v2;
	v2 =	vld [tilespmem:s26+$0x77C0]  }
0x8e: {  	v3 =	vld.idx.msk [tilespmem:v4+s28+$0x0], $0xffff  }
0x8f: {  	v4 =	vld [tilespmem:s26+$0x27D0];
	_ =	sdelay $0x4  }
0x90: {  	v2 =	vadd.f32 v3, v2;
	_ =	sdelay $0x1  }
0x91: {  	[tilespmem:s26+$0x9FC0] =	vst v2;
	v2 =	vld [tilespmem:s26+$0x77D0]  }
0x92: {  	v3 =	vld.idx.msk [tilespmem:v4+s28+$0x0], $0xffff  }
0x93: {  	v4 =	vld [tilespmem:s26+$0x27E0];
	_ =	sdelay $0x4  }
0x94: {  	v2 =	vadd.f32 v3, v2;
	_ =	sdelay $0x1  }
0x95: {  	[tilespmem:s26+$0x9FD0] =	vst v2;
	v2 =	vld [tilespmem:s26+$0x77E0]  }
0x96: {  	v3 =	vld.idx.msk [tilespmem:v4+s28+$0x0], $0xffff  }
0x97: {  	v4 =	vld [tilespmem:s26+$0x27F0];
	_ =	sdelay $0x3  }
.Ltmp0:
0x98: {  	(pc) =	sbr.rel @p0 .LBB2_2-.Ltmp0, $3  }
0x99: {  	v2 =	vadd.f32 v3, v2;
	_ =	sdelay $0x1  }
0x9a: {  	[tilespmem:s26+$0x9FE0] =	vst v2;
	v2 =	vld [tilespmem:s26+$0x77F0]  }
0x9b: {  	s30 =	sshra.s32 s29, $0x2;
	s29 =	sadd.s32 $0x200, s29;
	v3 =	vld.idx.msk [tilespmem:v4+s28+$0x0], $0xffff  }
0x9c: {  	v4 =	vld [tilespmem:s30+$0x2780];
	_ =	sdelay $0x3  }
0x9d: {  	v2 =	vadd.f32 v3, v2;
	_ =	sdelay $0x1  }
0x9e: {  	v3 =	vld [tilespmem:s30+$0x7780];
	[tilespmem:s26+$0x9FF0] =	vst v2  }
0x9f: {  	v57 =	vld [tilespmem:s30+$0x2790]  }
0xa0: {  	v2 =	vld.idx.msk [tilespmem:v4+s28+$0x0], $0xffff;
	_ =	sdelay $0x4  }
0xa1: {  	v2 =	vadd.f32 v2, v3  }
0xa2: {  	v58 =	vld [tilespmem:s30+$0x27A0]  }
0xa3: {  	[tilespmem:s30+$0x9F80] =	vst v2;
	v2 =	vld [tilespmem:s30+$0x7790]  }
0xa4: {  	v3 =	vld.idx.msk [tilespmem:v57+s28+$0x0], $0xffff;
	_ =	sdelay $0x4  }
0xa5: {  	v2 =	vadd.f32 v3, v2  }
0xa6: {  	v59 =	vld [tilespmem:s30+$0x27B0]  }
0xa7: {  	[tilespmem:s30+$0x9F90] =	vst v2;
	v2 =	vld [tilespmem:s30+$0x77A0]  }
0xa8: {  	v3 =	vld.idx.msk [tilespmem:v58+s28+$0x0], $0xffff;
	_ =	sdelay $0x4  }
0xa9: {  	v2 =	vadd.f32 v3, v2  }
0xaa: {  	v60 =	vld [tilespmem:s30+$0x27C0]  }
0xab: {  	[tilespmem:s30+$0x9FA0] =	vst v2;
	v2 =	vld [tilespmem:s30+$0x77B0]  }
0xac: {  	v3 =	vld.idx.msk [tilespmem:v59+s28+$0x0], $0xffff;
	_ =	sdelay $0x4  }
0xad: {  	v2 =	vadd.f32 v3, v2  }
0xae: {  	v61 =	vld [tilespmem:s30+$0x27D0]  }
0xaf: {  	[tilespmem:s30+$0x9FB0] =	vst v2;
	v2 =	vld [tilespmem:s30+$0x77C0]  }
0xb0: {  	v3 =	vld.idx.msk [tilespmem:v60+s28+$0x0], $0xffff;
	_ =	sdelay $0x4  }
0xb1: {  	v2 =	vadd.f32 v3, v2  }
0xb2: {  	v62 =	vld [tilespmem:s30+$0x27E0]  }
0xb3: {  	[tilespmem:s30+$0x9FC0] =	vst v2;
	v2 =	vld [tilespmem:s30+$0x77D0]  }
0xb4: {  	v3 =	vld.idx.msk [tilespmem:v61+s28+$0x0], $0xffff;
	_ =	sdelay $0x4  }
0xb5: {  	v2 =	vadd.f32 v3, v2  }
0xb6: {  	v63 =	vld [tilespmem:s30+$0x27F0]  }
0xb7: {  	[tilespmem:s30+$0x9FD0] =	vst v2;
	v2 =	vld [tilespmem:s30+$0x77E0]  }
0xb8: {  	v3 =	vld.idx.msk [tilespmem:v62+s28+$0x0], $0xffff;
	_ =	sdelay $0x4  }
0xb9: {  	v2 =	vadd.f32 v3, v2;
	_ =	sdelay $0x1  }
0xba: {  	[tilespmem:s30+$0x9FE0] =	vst v2;
	v2 =	vld [tilespmem:s30+$0x77F0]  }
0xbb: {  	v3 =	vld.idx.msk [tilespmem:v63+s28+$0x0], $0xffff;
	_ =	sdelay $0x1  }
0xbc: {  	p1 =	por $0x1, $0x1  }
.Ltmp1:
0xbd: {  	_ = 	snop;
	(pc) =	sbr.rel @!p1 .LBB2_6-.Ltmp1, $3  }
0xbe: {  	_ = 	snop  }
0xbf: {  	v2 =	vadd.f32 v3, v2;
	_ =	sdelay $0x1  }
0xc0: {  	p0 =	por $0x0, $0x0;
	s28 =	simm.s32 $0x0;
	[tilespmem:s30+$0x9FF0] =	vst v2  }
0xc1: {  	s26 =	simm.s32 $0x9F80;
	s28 =	simm.s32 $0x4F80  }
0xc2: {  	[spmem:s2] =	stream.indirect.scatter.add.f32 [tilespmem:s26], [sflag:$0x1], $0x1, s28, s19, $0xb8;
	[tilespmem:$0xCF80] =	vst v63  }
0xc3: {  	p1 =	por $0x1, $0x1;
	_ =	swait.ge [sflag:s14], $0x80  }
.Ltmp2:
0xc4: {  	[sflag:s14] =	ssyncset.done $0x0;
	(pc) =	sbr.rel @!p1 .LBB2_6-.Ltmp2, $4  }
0xc5: {  	[sflag:s14] =	ssyncadd.s32 $0xFFFFFF80  }
0xc6: {  	[spmem:s3] =	stream.indirect.scatter.add.f32 [tilespmem:s20], [sflag:$0x1], $0x1, s28, s19, $0xb8;
	[tilespmem:$0xCF80] =	vst v63  }
0xc7: {  	p0 =	por $0x1, $0x1;
	_ =	swait.ge [sflag:s14], $0x80  }
0xc8: {  	s26 =	simm.s32 $0x400;
	s28 =	simm.s32 $0x80;
	[sflag:s14] =	ssyncset.done $0x0  }
.LBB2_5:
0xc9: {  	s29 =	sadd.s32 $0x9F80, s28  }
0xca: {  	s28 =	sadd.s32 $0x4F80, s28;
	[sflag:s14] =	ssyncadd.s32 $0xFFFFFF80;
	s30 =	smov.u32 s26  }
0xcb: {  	[spmem:s2] =	stream.indirect.scatter.add.f32 [tilespmem:s29], [sflag:$0x1], $0x1, s28, s19, $0xb8;
	[tilespmem:$0xCF80] =	vst v63  }
0xcc: {  	p1 =	sne.s32 s26, $0x9E00;
	s26 =	sadd.s32 $0x200, s26;
	_ =	swait.ge [sflag:s14], $0x80  }
.Ltmp3:
0xcd: {  	[sflag:s14] =	ssyncset.done $0x0;
	(pc) =	sbr.rel @p1 .LBB2_5-.Ltmp3, $4  }
0xce: {  	[sflag:s14] =	ssyncadd.s32 $0xFFFFFF80  }
0xcf: {  	[spmem:s3] =	stream.indirect.scatter.add.f32 [tilespmem:s20], [sflag:$0x1], $0x1, s28, s19, $0xb8;
	[tilespmem:$0xCF80] =	vst v63  }
0xd0: {  	_ =	swait.ge [sflag:s14], $0x80  }
0xd1: {  	s28 =	sshra.s32 s30, $0x2;
	[sflag:s14] =	ssyncset.done $0x0  }
.LBB2_6:
0xd2: {  	s26 =	sadd.s32 $0x9F80, s28;
	s30 =	sadd.s32 $0x4F80, s28;
	[sflag:s14] =	ssyncadd.s32 @p0 $0xFFFFFF80  }
0xd3: {  	[spmem:s2] =	stream.indirect.scatter.add.f32 [tilespmem:s26], [sflag:$0x1], $0x1, s30, s19, $0xb8;
	[tilespmem:$0xCF80] =	vst v63  }
0xd4: {  	_ =	swait.ge [sflag:s14], $0x80  }
0xd5: {  	[sflag:s14] =	ssyncset.done $0x0  }
0xd6: {  	[sflag:s14] =	ssyncadd.s32 $0xFFFFFF80  }
0xd7: {  	[spmem:s3] =	stream.indirect.scatter.add.f32 [tilespmem:s20], [sflag:$0x1], $0x1, s30, s19, $0xb8;
	[tilespmem:$0xCF80] =	vst v63  }
0xd8: {  	_ =	swait.ge [sflag:s14], $0x80  }
0xd9: {  	[sflag:s14] =	ssyncset.done $0x0  }
0xda: {  	[sflag:s14] =	ssyncadd.s32 $0xFFFFFF80  }
0xdb: {  	[bflag:$0x0] =	sbarrier.arrive $0xFFFF  }
0xdc: {  	[hbm:s11@s23], [sflag:s21] =	dma.strided [spmem:s22@s24], $0x50, s14, $0x10   }
0xdd: {  	s25 =	sadd.s32 $0x1, s25;
	_ =	swait.ge [sflag:s14], $0x50  }
0xde: {  	p0 =	sne.s32 s25, s13;
	[sflag:s14] =	ssyncset.done $0x0  }
.Ltmp4:
0xdf: {  	s31 =	sshrl.u32 s10, $0x3;
	[sflag:s14] =	ssyncadd.s32 $0xFFFFFFB0;
	(pc) =	sbr.rel @p0 .LBB2_1-.Ltmp4, $4  }
0xe0: {  	[hbm:s12@s23], [sflag:s21] =	dma.strided [spmem:s31@s24], $0x50, s14, $0x10   }
0xe1: {  	_ =	swait.ge [sflag:s14], $0x50  }
0xe2: {  	[sflag:s14] =	ssyncset.done $0x0  }
0xe3: {  	[sflag:s14] =	ssyncadd.s32 $0xFFFFFFB0  }
0xe4: {  	_ =	sfence.sel $0x180000  }
0xe5: {  	[bflag:$0x0] =	sbarrier.arrive $0xFFFF  }
0xe6: {  	p0 =	sne.s32 s1, $0x0;
	_ =	strace $0x90000047  }
0xe7: {  	s0 =	sadd.s32 @!p0 $0x100000, s0;
	[bflag:$0x2] =	sbarrier.arrive $0xFFFF  }
0xe8: {  	[sflag:s0] =	ssyncadd.tile.s32 @!p0 $0x1;
	_ =	shalt  }
.Lfunc_end2:
_tile_overlayer_lowered:
.L_overlay_start_2:
0xe9: {  	(tag) =	ssettag $0x2  }
0xea: {  	s0 =	rddreg [dreg:$0x0];
	s2 =	stileid.u32  }
0xeb: {  	s1 =	rddreg [dreg:$0x1];
	p0 =	sne.s32 s2, $0x0  }
0xec: {  	s3 =	rddreg [dreg:$0x2];
	[bflag:$0x3] =	sbarrier.arrive $0xFFFF;
	s2 =	simm.s32 @!p0 $0x1C01  }
0xed: {  	[timem:s3], [sflag:s2] =	dma.local @!p0 [hbm:s0], s1  }
0xee: {  	s0 =	simm.s32 @!p0 $0x1  }
0xef: {  	_ =	swait.ge @!p0 [sflag:s0], s1  }
0xf0: {  	s1 =	ssub.s32 @!p0 $0x0, s1;
	[sflag:s0] =	ssyncset.done @!p0 $0x0  }
0xf1: {  	[sflag:s0] =	ssyncadd.s32 @!p0 s1  }
0xf2: {  	[bflag:$0x3] =	sbarrier.arrive $0xFFFF  }
0xf3: {  	_ =	shalt  }

</sc_bundles>
